<compile_context>
chip_gen: v7x
topology: tpu7x:2x2x1
jax: 0.10.2.dev20260603
libtpu: 0.0.44.dev20260713+nightly
codegen_flags: <defaults>
</compile_context>

<pallas_src>
import functools

import jax
import jax.numpy as jnp
from jax import lax
from jax.experimental import pallas as pl
from jax.experimental.pallas import tpu as pltpu
from jax.experimental.pallas import tpu_sc as plsc

_N = 49999
_ROWS = _N + 1
_BATCH = 4
_FEAT = 64
_LANES = 16
_BLK = 128


def _sc_gather(idx2, values_t):
    mesh = plsc.VectorSubcoreMesh(
        core_axis_name="c", subcore_axis_name="s", num_cores=1, num_subcores=2
    )

    @functools.partial(
        pl.kernel,
        out_type=jax.ShapeDtypeStruct((_BATCH, 2, 2 * _FEAT), jnp.float32),
        mesh=mesh,
        scratch_types=[
            pltpu.VMEM((_LANES,), jnp.int32),
            pltpu.VMEM((2, _BATCH, _FEAT, _BLK), jnp.float32),
            pltpu.VMEM((_BATCH, 1, 2 * _FEAT), jnp.float32),
            pltpu.SemaphoreType.DMA,
        ],
        compiler_params=pltpu.CompilerParams(
            use_tc_tiling_on_sc=True,
            needs_layout_passes=False,
        ),
    )
    def k(idx_hbm, vals_hbm, out_hbm, idx_v, blk_v, row_v, sem):
        wid = lax.axis_index("s")

        for j in range(2):

            @pl.when(wid == j)
            def _(j=j):
                pltpu.sync_copy(idx_hbm, idx_v.at[pl.ds(0, 2)])
                iv = idx_v[...]
                cj = iv[j]
                fetches = []
                for h in range(2):
                    col = cj + h * _ROWS
                    base = (col // _BLK) * _BLK
                    fetches.append(
                        (
                            pltpu.async_copy(
                                vals_hbm.at[:, :, pl.ds(base, _BLK)],
                                blk_v.at[h],
                                sem,
                            ),
                            col - base,
                        )
                    )
                for h, (fetch, lane) in enumerate(fetches):
                    fetch.wait()
                    lane16 = jnp.broadcast_to(lane, (_LANES,))
                    for b in range(_BATCH):
                        b16 = jnp.broadcast_to(jnp.int32(b), (_LANES,))
                        for fc in range(_FEAT // _LANES):
                            f16 = fc * _LANES + lax.iota(jnp.int32, _LANES)
                            row_v[b, 0, pl.ds(h * _FEAT + fc * _LANES, _LANES)] = (
                                plsc.load_gather(blk_v.at[h], [b16, f16, lane16])
                            )
                pltpu.sync_copy(row_v, out_hbm.at[:, pl.ds(j, 1), :])

    return k(idx2, values_t)


def kernel(indices, values):
    idx2 = indices.astype(jnp.int32)
    values_t = values.transpose(0, 2, 1)
    return _sc_gather(idx2, values_t)

# --- scband reference (transcript-rebuilt; emitter-appended) ---
"""Pipeline reference for scband-game-vec-58179626991629 (READ-ONLY COPY).

The authoritative reference and input builder live on the scoring server;
editing this copy changes nothing except your own understanding.
"""

import jax, jax.numpy as jnp
import numpy as np

N = 49999

def setup_inputs(seed: int = 0) -> dict:
    key = jax.random.key(seed)
    k1, k2 = jax.random.split(key)
    indices = jax.random.randint(k1, (2,), 0, N + 1).astype(jnp.int64)
    values = jax.random.normal(k2, (4, 2 * (N + 1), 64), dtype=jnp.float32)
    return {"indices": indices, "values": values}

def reference(indices, values):
    # defense_index = indices + [N+1, N+1]
    defense_index = indices + jnp.asarray([N + 1, N + 1], dtype=indices.dtype)
    # tf.gather(values, indices, axis=1)
    off = jnp.take(values, indices, axis=1)
    defense = jnp.take(values, defense_index, axis=1)
    game_vec = jnp.concatenate([off, defense], axis=2)
    return game_vec

if __name__ == "__main__":
    import jax
    _d = setup_inputs()
    print(jax.jit(kernel)(*tuple(_d.values())))

</pallas_src>

<mosaic_0001>
#map = affine_map<(d0, d1) -> (0)>
#map1 = affine_map<(d0, d1) -> (0, 0, 0)>
module attributes {stable_mosaic.version = 14 : i64} {
  func.func @k(%arg0: i32, %arg1: i32, %arg2: memref<2xi32, #tpu.memory_space<hbm>>, %arg3: memref<4x64x100000xf32, #tpu.memory_space<hbm>>, %arg4: memref<4x2x128xf32, #tpu.memory_space<hbm>>, %arg5: memref<16xi32, #tpu.memory_space<vmem>>, %arg6: memref<2x4x64x128xf32, #tpu.memory_space<vmem>>, %arg7: memref<4x1x128xf32, #tpu.memory_space<vmem>>, %arg8: memref<!tpu.dma_semaphore, #tpu.memory_space<semaphore_mem>>) attributes {dimension_semantics = [#tpu.dimension_semantics<core_parallel>, #tpu.dimension_semantics<subcore_parallel>], iteration_bounds = array<i64: 1, 2>, scalar_prefetch = 0 : i64, scratch_operands = 4 : i64, tpu.core_type = #tpu.core_type<sc_vector_subcore>, window_params = [{transform_indices = #map}, {transform_indices = #map1}, {transform_indices = #map1}]} {
    %eq3A = arith.constant 0 : i32
    %eq3A_0 = arith.cmpi eq, %arg1, %eq3A : i32
    %convert_element_type3A = arith.extui %eq3A_0 : i1 to i32
    %cond3A = arith.constant 0 : i32
    %cond3A_1 = arith.cmpi ne, %convert_element_type3A, %cond3A : i32
    scf.if %cond3A_1 {
      "tpu.region"() ({
        %run_scoped3A = tpu.sem_alloc : memref<!tpu.dma_semaphore, #tpu.memory_space<semaphore_mem>>
        %dma_start3A_680 = arith.constant 0 : i32
        %dma_start3A_681 = tpu.memref_slice %arg5[%dma_start3A_680] : memref<16xi32, #tpu.memory_space<vmem>> -> memref<2xi32, #tpu.memory_space<vmem>>
        %dma_start3A_682 = arith.constant 0 : i32
        %dma_start3A_683 = tpu.memref_slice %arg5[%dma_start3A_682] : memref<16xi32, #tpu.memory_space<vmem>> -> memref<2xi32, #tpu.memory_space<vmem>>
        tpu.enqueue_dma source(%arg2 : memref<2xi32, #tpu.memory_space<hbm>>) target(%dma_start3A_683 : memref<2xi32, #tpu.memory_space<vmem>>) target_semaphore(%run_scoped3A : memref<!tpu.dma_semaphore, #tpu.memory_space<semaphore_mem>>)
        %dma_wait3A_684 = arith.constant 0 : i32
        %dma_wait3A_685 = tpu.memref_slice %arg5[%dma_wait3A_684] : memref<16xi32, #tpu.memory_space<vmem>> -> memref<2xi32, #tpu.memory_space<vmem>>
        %dma_wait3A_686 = arith.constant 0 : i32
        %dma_wait3A_687 = tpu.memref_slice %arg5[%dma_wait3A_686] : memref<16xi32, #tpu.memory_space<vmem>> -> memref<2xi32, #tpu.memory_space<vmem>>
        tpu.wait_dma2 semaphore(%run_scoped3A : memref<!tpu.dma_semaphore, #tpu.memory_space<semaphore_mem>>) src(%arg2 : memref<2xi32, #tpu.memory_space<hbm>>) dst(%dma_wait3A_687 : memref<2xi32, #tpu.memory_space<vmem>>)
        tpu.yield
      }) : () -> ()
      %get3A = arith.constant 0 : index
      %get3A_7 = tpu.vector_load %arg5[%get3A] {strides = array<i32>} : memref<16xi32, #tpu.memory_space<vmem>>, vector<16xi32>,
      %slice3A = vector.extract_strided_slice %get3A_7 {offsets = [0], sizes = [1], strides = [1]} : vector<16xi32> to vector<1xi32>
      %squeeze3A = vector.extract %slice3A[0] : i32 from vector<1xi32>
      %add3A = arith.constant 0 : i32
      %add3A_8 = arith.addi %squeeze3A, %add3A : i32
      %jit3A = arith.constant 128 : i32
      %div3A = arith.divsi %add3A_8, %jit3A : i32
      %sign3A = arith.constant 0 : i32
      %sign3A_9 = arith.cmpi sgt, %add3A_8, %sign3A : i32
      %sign3A_10 = arith.extui %sign3A_9 : i1 to i32
      %sign3A_11 = arith.constant 0 : i32
      %sign3A_12 = arith.cmpi slt, %add3A_8, %sign3A_11 : i32
      %sign3A_13 = arith.extui %sign3A_12 : i1 to i32
      %sign3A_14 = arith.subi %sign3A_10, %sign3A_13 : i32
      %sign3A_15 = arith.constant 0 : i32
      %sign3A_16 = arith.cmpi sgt, %jit3A, %sign3A_15 : i32
      %sign3A_17 = arith.extui %sign3A_16 : i1 to i32
      %sign3A_18 = arith.constant 0 : i32
      %sign3A_19 = arith.cmpi slt, %jit3A, %sign3A_18 : i32
      %sign3A_20 = arith.extui %sign3A_19 : i1 to i32
      %sign3A_21 = arith.subi %sign3A_17, %sign3A_20 : i32
      %ne3A = arith.cmpi ne, %sign3A_14, %sign3A_21 : i32
      %rem3A = arith.remsi %add3A_8, %jit3A : i32
      %ne3A_22 = arith.constant 0 : i32
      %ne3A_23 = arith.cmpi ne, %rem3A, %ne3A_22 : i32
      %and3A = arith.andi %ne3A, %ne3A_23 : i1
      %sub3A = arith.constant 1 : i32
      %sub3A_24 = arith.subi %div3A, %sub3A : i32
      %select_n3A = arith.select %and3A, %sub3A_24, %div3A : i32
      %mul3A = arith.constant 128 : i32
      %mul3A_25 = arith.muli %select_n3A, %mul3A : i32
      %dma_start3A = arith.constant 0 : i32
      %dma_start3A_26 = arith.constant 0 : i32
      %dma_start3A_27 = arith.constant 0 : i32
      %dma_start3A_28 = arith.constant 0 : i32
      %dma_start3A_29 = tpu.memref_slice %arg6[%dma_start3A, %dma_start3A_26, %dma_start3A_27, %dma_start3A_28] : memref<2x4x64x128xf32, #tpu.memory_space<vmem>> -> memref<1x4x64x128xf32, #tpu.memory_space<vmem>>
      %dma_start3A_30 = tpu.memref_squeeze %dma_start3A_29 : memref<1x4x64x128xf32, #tpu.memory_space<vmem>> -> memref<4x64x128xf32, #tpu.memory_space<vmem>>
      %dma_start3A_31 = arith.constant 0 : i32
      %dma_start3A_32 = arith.constant 0 : i32
      %dma_start3A_33 = tpu.memref_slice %arg3[%dma_start3A_31, %dma_start3A_32, %mul3A_25] : memref<4x64x100000xf32, #tpu.memory_space<hbm>> -> memref<4x64x128xf32, #tpu.memory_space<hbm>>
      %dma_start3A_34 = arith.constant 0 : i32
      %dma_start3A_35 = arith.constant 0 : i32
      %dma_start3A_36 = arith.constant 0 : i32
      %dma_start3A_37 = tpu.memref_slice %arg6[%dma_start3A, %dma_start3A_34, %dma_start3A_35, %dma_start3A_36] : memref<2x4x64x128xf32, #tpu.memory_space<vmem>> -> memref<1x4x64x128xf32, #tpu.memory_space<vmem>>
      %dma_start3A_38 = tpu.memref_squeeze %dma_start3A_37 : memref<1x4x64x128xf32, #tpu.memory_space<vmem>> -> memref<4x64x128xf32, #tpu.memory_space<vmem>>
      %dma_start3A_39 = arith.constant 0 : i32
      %dma_start3A_40 = arith.constant 0 : i32
      %dma_start3A_41 = tpu.memref_slice %arg3[%dma_start3A_39, %dma_start3A_40, %mul3A_25] : memref<4x64x100000xf32, #tpu.memory_space<hbm>> -> memref<4x64x128xf32, #tpu.memory_space<hbm>>
      tpu.enqueue_dma source(%dma_start3A_41 : memref<4x64x128xf32, #tpu.memory_space<hbm>>) target(%dma_start3A_38 : memref<4x64x128xf32, #tpu.memory_space<vmem>>) target_semaphore(%arg8 : memref<!tpu.dma_semaphore, #tpu.memory_space<semaphore_mem>>)
      %sub3A_42 = arith.subi %add3A_8, %mul3A_25 : i32
      %add3A_43 = arith.constant 50000 : i32
      %add3A_44 = arith.addi %squeeze3A, %add3A_43 : i32
      %jit3A_45 = arith.constant 128 : i32
      %div3A_46 = arith.divsi %add3A_44, %jit3A_45 : i32
      %sign3A_47 = arith.constant 0 : i32
      %sign3A_48 = arith.cmpi sgt, %add3A_44, %sign3A_47 : i32
      %sign3A_49 = arith.extui %sign3A_48 : i1 to i32
      %sign3A_50 = arith.constant 0 : i32
      %sign3A_51 = arith.cmpi slt, %add3A_44, %sign3A_50 : i32
      %sign3A_52 = arith.extui %sign3A_51 : i1 to i32
      %sign3A_53 = arith.subi %sign3A_49, %sign3A_52 : i32
      %sign3A_54 = arith.constant 0 : i32
      %sign3A_55 = arith.cmpi sgt, %jit3A_45, %sign3A_54 : i32
      %sign3A_56 = arith.extui %sign3A_55 : i1 to i32
      %sign3A_57 = arith.constant 0 : i32
      %sign3A_58 = arith.cmpi slt, %jit3A_45, %sign3A_57 : i32
      %sign3A_59 = arith.extui %sign3A_58 : i1 to i32
      %sign3A_60 = arith.subi %sign3A_56, %sign3A_59 : i32
      %ne3A_61 = arith.cmpi ne, %sign3A_53, %sign3A_60 : i32
      %rem3A_62 = arith.remsi %add3A_44, %jit3A_45 : i32
      %ne3A_63 = arith.constant 0 : i32
      %ne3A_64 = arith.cmpi ne, %rem3A_62, %ne3A_63 : i32
      %and3A_65 = arith.andi %ne3A_61, %ne3A_64 : i1
      %sub3A_66 = arith.constant 1 : i32
      %sub3A_67 = arith.subi %div3A_46, %sub3A_66 : i32
      %select_n3A_68 = arith.select %and3A_65, %sub3A_67, %div3A_46 : i32
      %mul3A_69 = arith.constant 128 : i32
      %mul3A_70 = arith.muli %select_n3A_68, %mul3A_69 : i32
      %dma_start3A_71 = arith.constant 1 : i32
      %dma_start3A_72 = arith.constant 0 : i32
      %dma_start3A_73 = arith.constant 0 : i32
      %dma_start3A_74 = arith.constant 0 : i32
      %dma_start3A_75 = tpu.memref_slice %arg6[%dma_start3A_71, %dma_start3A_72, %dma_start3A_73, %dma_start3A_74] : memref<2x4x64x128xf32, #tpu.memory_space<vmem>> -> memref<1x4x64x128xf32, #tpu.memory_space<vmem>>
      %dma_start3A_76 = tpu.memref_squeeze %dma_start3A_75 : memref<1x4x64x128xf32, #tpu.memory_space<vmem>> -> memref<4x64x128xf32, #tpu.memory_space<vmem>>
      %dma_start3A_77 = arith.constant 0 : i32
      %dma_start3A_78 = arith.constant 0 : i32
      %dma_start3A_79 = tpu.memref_slice %arg3[%dma_start3A_77, %dma_start3A_78, %mul3A_70] : memref<4x64x100000xf32, #tpu.memory_space<hbm>> -> memref<4x64x128xf32, #tpu.memory_space<hbm>>
      %dma_start3A_80 = arith.constant 0 : i32
      %dma_start3A_81 = arith.constant 0 : i32
      %dma_start3A_82 = arith.constant 0 : i32
      %dma_start3A_83 = tpu.memref_slice %arg6[%dma_start3A_71, %dma_start3A_80, %dma_start3A_81, %dma_start3A_82] : memref<2x4x64x128xf32, #tpu.memory_space<vmem>> -> memref<1x4x64x128xf32, #tpu.memory_space<vmem>>
      %dma_start3A_84 = tpu.memref_squeeze %dma_start3A_83 : memref<1x4x64x128xf32, #tpu.memory_space<vmem>> -> memref<4x64x128xf32, #tpu.memory_space<vmem>>
      %dma_start3A_85 = arith.constant 0 : i32
      %dma_start3A_86 = arith.constant 0 : i32
      %dma_start3A_87 = tpu.memref_slice %arg3[%dma_start3A_85, %dma_start3A_86, %mul3A_70] : memref<4x64x100000xf32, #tpu.memory_space<hbm>> -> memref<4x64x128xf32, #tpu.memory_space<hbm>>
      tpu.enqueue_dma source(%dma_start3A_87 : memref<4x64x128xf32, #tpu.memory_space<hbm>>) target(%dma_start3A_84 : memref<4x64x128xf32, #tpu.memory_space<vmem>>) target_semaphore(%arg8 : memref<!tpu.dma_semaphore, #tpu.memory_space<semaphore_mem>>)
      %sub3A_88 = arith.subi %add3A_44, %mul3A_70 : i32
      %dma_wait3A = arith.constant 0 : i32
      %dma_wait3A_89 = arith.constant 0 : i32
      %dma_wait3A_90 = arith.constant 0 : i32
      %dma_wait3A_91 = arith.constant 0 : i32
      %dma_wait3A_92 = tpu.memref_slice %arg6[%dma_wait3A, %dma_wait3A_89, %dma_wait3A_90, %dma_wait3A_91] : memref<2x4x64x128xf32, #tpu.memory_space<vmem>> -> memref<1x4x64x128xf32, #tpu.memory_space<vmem>>
      %dma_wait3A_93 = tpu.memref_squeeze %dma_wait3A_92 : memref<1x4x64x128xf32, #tpu.memory_space<vmem>> -> memref<4x64x128xf32, #tpu.memory_space<vmem>>
      %dma_wait3A_94 = arith.constant 0 : i32
      %dma_wait3A_95 = arith.constant 0 : i32
      %dma_wait3A_96 = tpu.memref_slice %arg3[%dma_wait3A_94, %dma_wait3A_95, %mul3A_25] : memref<4x64x100000xf32, #tpu.memory_space<hbm>> -> memref<4x64x128xf32, #tpu.memory_space<hbm>>
      %dma_wait3A_97 = arith.constant 0 : i32
      %dma_wait3A_98 = arith.constant 0 : i32
      %dma_wait3A_99 = arith.constant 0 : i32
      %dma_wait3A_100 = tpu.memref_slice %arg6[%dma_wait3A, %dma_wait3A_97, %dma_wait3A_98, %dma_wait3A_99] : memref<2x4x64x128xf32, #tpu.memory_space<vmem>> -> memref<1x4x64x128xf32, #tpu.memory_space<vmem>>
      %dma_wait3A_101 = tpu.memref_squeeze %dma_wait3A_100 : memref<1x4x64x128xf32, #tpu.memory_space<vmem>> -> memref<4x64x128xf32, #tpu.memory_space<vmem>>
      %dma_wait3A_102 = arith.constant 0 : i32
      %dma_wait3A_103 = arith.constant 0 : i32
      %dma_wait3A_104 = tpu.memref_slice %arg3[%dma_wait3A_102, %dma_wait3A_103, %mul3A_25] : memref<4x64x100000xf32, #tpu.memory_space<hbm>> -> memref<4x64x128xf32, #tpu.memory_space<hbm>>
      tpu.wait_dma2 semaphore(%arg8 : memref<!tpu.dma_semaphore, #tpu.memory_space<semaphore_mem>>) src(%dma_wait3A_104 : memref<4x64x128xf32, #tpu.memory_space<hbm>>) dst(%dma_wait3A_101 : memref<4x64x128xf32, #tpu.memory_space<vmem>>)
      %broadcast_in_dim3A = vector.broadcast %sub3A_42 : i32 to vector<16xi32>
      %broadcast_in_dim3A_105 = arith.constant 0 : i32
      %broadcast_in_dim3A_106 = vector.broadcast %broadcast_in_dim3A_105 : i32 to vector<16xi32>
      %iota3A = tpu.iota {dimensions = array<i32: 0>} : vector<16xi32>
      %add3A_107 = arith.constant 0 : i32
      %add3A_108 = vector.broadcast %add3A_107 : i32 to vector<16xi32>
      %add3A_109 = arith.addi %add3A_108, %iota3A : vector<16xi32>
      %gather3A = arith.constant 0 : i32
      %gather3A_110 = arith.constant 0 : i32
      %gather3A_111 = arith.constant 0 : i32
      %gather3A_112 = arith.constant 0 : i32
      %gather3A_113 = tpu.memref_slice %arg6[%gather3A, %gather3A_110, %gather3A_111, %gather3A_112] : memref<2x4x64x128xf32, #tpu.memory_space<vmem>> -> memref<1x4x64x128xf32, #tpu.memory_space<vmem>>
      %gather3A_114 = tpu.memref_squeeze %gather3A_113 : memref<1x4x64x128xf32, #tpu.memory_space<vmem>> -> memref<4x64x128xf32, #tpu.memory_space<vmem>>
      %gather3A_115 = tpu.vector_load_idx %gather3A_114[%broadcast_in_dim3A_106, %add3A_109, %broadcast_in_dim3A] : memref<4x64x128xf32, #tpu.memory_space<vmem>>[vector<16xi32>, vector<16xi32>, vector<16xi32>], vector<16xf32>,
      %swap3A = arith.constant 0 : i32
      %swap3A_116 = arith.constant 0 : i32
      %swap3A_117 = arith.index_cast %swap3A : i32 to index
      %swap3A_118 = arith.index_cast %swap3A_116 : i32 to index
      %swap3A_119 = arith.constant 0 : index
      %swap3A_120 = tpu.vector_load %arg7[%swap3A_117, %swap3A_118, %swap3A_119] {strides = array<i32>} : memref<4x1x128xf32, #tpu.memory_space<vmem>>, vector<16xf32>,
      tpu.vector_store %arg7[%swap3A_117, %swap3A_118, %swap3A_119], %gather3A_115 {strides = array<i32>} : memref<4x1x128xf32, #tpu.memory_space<vmem>>, vector<16xf32>,
      %iota3A_121 = tpu.iota {dimensions = array<i32: 0>} : vector<16xi32>
      %add3A_122 = arith.constant 16 : i32
      %add3A_123 = vector.broadcast %add3A_122 : i32 to vector<16xi32>
      %add3A_124 = arith.addi %add3A_123, %iota3A_121 : vector<16xi32>
      %gather3A_125 = arith.constant 0 : i32
      %gather3A_126 = arith.constant 0 : i32
      %gather3A_127 = arith.constant 0 : i32
      %gather3A_128 = arith.constant 0 : i32
      %gather3A_129 = tpu.memref_slice %arg6[%gather3A_125, %gather3A_126, %gather3A_127, %gather3A_128] : memref<2x4x64x128xf32, #tpu.memory_space<vmem>> -> memref<1x4x64x128xf32, #tpu.memory_space<vmem>>
      %gather3A_130 = tpu.memref_squeeze %gather3A_129 : memref<1x4x64x128xf32, #tpu.memory_space<vmem>> -> memref<4x64x128xf32, #tpu.memory_space<vmem>>
      %gather3A_131 = tpu.vector_load_idx %gather3A_130[%broadcast_in_dim3A_106, %add3A_124, %broadcast_in_dim3A] : memref<4x64x128xf32, #tpu.memory_space<vmem>>[vector<16xi32>, vector<16xi32>, vector<16xi32>], vector<16xf32>,
      %swap3A_132 = arith.constant 0 : i32
      %swap3A_133 = arith.constant 0 : i32
      %swap3A_134 = arith.index_cast %swap3A_132 : i32 to index
      %swap3A_135 = arith.index_cast %swap3A_133 : i32 to index
      %swap3A_136 = arith.constant 16 : index
      %swap3A_137 = tpu.vector_load %arg7[%swap3A_134, %swap3A_135, %swap3A_136] {strides = array<i32>} : memref<4x1x128xf32, #tpu.memory_space<vmem>>, vector<16xf32>,
      tpu.vector_store %arg7[%swap3A_134, %swap3A_135, %swap3A_136], %gather3A_131 {strides = array<i32>} : memref<4x1x128xf32, #tpu.memory_space<vmem>>, vector<16xf32>,
      %iota3A_138 = tpu.iota {dimensions = array<i32: 0>} : vector<16xi32>
      %add3A_139 = arith.constant 32 : i32
      %add3A_140 = vector.broadcast %add3A_139 : i32 to vector<16xi32>
      %add3A_141 = arith.addi %add3A_140, %iota3A_138 : vector<16xi32>
      %gather3A_142 = arith.constant 0 : i32
      %gather3A_143 = arith.constant 0 : i32
      %gather3A_144 = arith.constant 0 : i32
      %gather3A_145 = arith.constant 0 : i32
      %gather3A_146 = tpu.memref_slice %arg6[%gather3A_142, %gather3A_143, %gather3A_144, %gather3A_145] : memref<2x4x64x128xf32, #tpu.memory_space<vmem>> -> memref<1x4x64x128xf32, #tpu.memory_space<vmem>>
      %gather3A_147 = tpu.memref_squeeze %gather3A_146 : memref<1x4x64x128xf32, #tpu.memory_space<vmem>> -> memref<4x64x128xf32, #tpu.memory_space<vmem>>
      %gather3A_148 = tpu.vector_load_idx %gather3A_147[%broadcast_in_dim3A_106, %add3A_141, %broadcast_in_dim3A] : memref<4x64x128xf32, #tpu.memory_space<vmem>>[vector<16xi32>, vector<16xi32>, vector<16xi32>], vector<16xf32>,
      %swap3A_149 = arith.constant 0 : i32
      %swap3A_150 = arith.constant 0 : i32
      %swap3A_151 = arith.index_cast %swap3A_149 : i32 to index
      %swap3A_152 = arith.index_cast %swap3A_150 : i32 to index
      %swap3A_153 = arith.constant 32 : index
      %swap3A_154 = tpu.vector_load %arg7[%swap3A_151, %swap3A_152, %swap3A_153] {strides = array<i32>} : memref<4x1x128xf32, #tpu.memory_space<vmem>>, vector<16xf32>,
      tpu.vector_store %arg7[%swap3A_151, %swap3A_152, %swap3A_153], %gather3A_148 {strides = array<i32>} : memref<4x1x128xf32, #tpu.memory_space<vmem>>, vector<16xf32>,
      %iota3A_155 = tpu.iota {dimensions = array<i32: 0>} : vector<16xi32>
      %add3A_156 = arith.constant 48 : i32
      %add3A_157 = vector.broadcast %add3A_156 : i32 to vector<16xi32>
      %add3A_158 = arith.addi %add3A_157, %iota3A_155 : vector<16xi32>
      %gather3A_159 = arith.constant 0 : i32
      %gather3A_160 = arith.constant 0 : i32
      %gather3A_161 = arith.constant 0 : i32
      %gather3A_162 = arith.constant 0 : i32
      %gather3A_163 = tpu.memref_slice %arg6[%gather3A_159, %gather3A_160, %gather3A_161, %gather3A_162] : memref<2x4x64x128xf32, #tpu.memory_space<vmem>> -> memref<1x4x64x128xf32, #tpu.memory_space<vmem>>
      %gather3A_164 = tpu.memref_squeeze %gather3A_163 : memref<1x4x64x128xf32, #tpu.memory_space<vmem>> -> memref<4x64x128xf32, #tpu.memory_space<vmem>>
      %gather3A_165 = tpu.vector_load_idx %gather3A_164[%broadcast_in_dim3A_106, %add3A_158, %broadcast_in_dim3A] : memref<4x64x128xf32, #tpu.memory_space<vmem>>[vector<16xi32>, vector<16xi32>, vector<16xi32>], vector<16xf32>,
      %swap3A_166 = arith.constant 0 : i32
      %swap3A_167 = arith.constant 0 : i32
      %swap3A_168 = arith.index_cast %swap3A_166 : i32 to index
      %swap3A_169 = arith.index_cast %swap3A_167 : i32 to index
      %swap3A_170 = arith.constant 48 : index
      %swap3A_171 = tpu.vector_load %arg7[%swap3A_168, %swap3A_169, %swap3A_170] {strides = array<i32>} : memref<4x1x128xf32, #tpu.memory_space<vmem>>, vector<16xf32>,
      tpu.vector_store %arg7[%swap3A_168, %swap3A_169, %swap3A_170], %gather3A_165 {strides = array<i32>} : memref<4x1x128xf32, #tpu.memory_space<vmem>>, vector<16xf32>,
      %broadcast_in_dim3A_172 = arith.constant 1 : i32
      %broadcast_in_dim3A_173 = vector.broadcast %broadcast_in_dim3A_172 : i32 to vector<16xi32>
      %iota3A_174 = tpu.iota {dimensions = array<i32: 0>} : vector<16xi32>
      %add3A_175 = arith.constant 0 : i32
      %add3A_176 = vector.broadcast %add3A_175 : i32 to vector<16xi32>
      %add3A_177 = arith.addi %add3A_176, %iota3A_174 : vector<16xi32>
      %gather3A_178 = arith.constant 0 : i32
      %gather3A_179 = arith.constant 0 : i32
      %gather3A_180 = arith.constant 0 : i32
      %gather3A_181 = arith.constant 0 : i32
      %gather3A_182 = tpu.memref_slice %arg6[%gather3A_178, %gather3A_179, %gather3A_180, %gather3A_181] : memref<2x4x64x128xf32, #tpu.memory_space<vmem>> -> memref<1x4x64x128xf32, #tpu.memory_space<vmem>>
      %gather3A_183 = tpu.memref_squeeze %gather3A_182 : memref<1x4x64x128xf32, #tpu.memory_space<vmem>> -> memref<4x64x128xf32, #tpu.memory_space<vmem>>
      %gather3A_184 = tpu.vector_load_idx %gather3A_183[%broadcast_in_dim3A_173, %add3A_177, %broadcast_in_dim3A] : memref<4x64x128xf32, #tpu.memory_space<vmem>>[vector<16xi32>, vector<16xi32>, vector<16xi32>], vector<16xf32>,
      %swap3A_185 = arith.constant 1 : i32
      %swap3A_186 = arith.constant 0 : i32
      %swap3A_187 = arith.index_cast %swap3A_185 : i32 to index
      %swap3A_188 = arith.index_cast %swap3A_186 : i32 to index
      %swap3A_189 = arith.constant 0 : index
      %swap3A_190 = tpu.vector_load %arg7[%swap3A_187, %swap3A_188, %swap3A_189] {strides = array<i32>} : memref<4x1x128xf32, #tpu.memory_space<vmem>>, vector<16xf32>,
      tpu.vector_store %arg7[%swap3A_187, %swap3A_188, %swap3A_189], %gather3A_184 {strides = array<i32>} : memref<4x1x128xf32, #tpu.memory_space<vmem>>, vector<16xf32>,
      %iota3A_191 = tpu.iota {dimensions = array<i32: 0>} : vector<16xi32>
      %add3A_192 = arith.constant 16 : i32
      %add3A_193 = vector.broadcast %add3A_192 : i32 to vector<16xi32>
      %add3A_194 = arith.addi %add3A_193, %iota3A_191 : vector<16xi32>
      %gather3A_195 = arith.constant 0 : i32
      %gather3A_196 = arith.constant 0 : i32
      %gather3A_197 = arith.constant 0 : i32
      %gather3A_198 = arith.constant 0 : i32
      %gather3A_199 = tpu.memref_slice %arg6[%gather3A_195, %gather3A_196, %gather3A_197, %gather3A_198] : memref<2x4x64x128xf32, #tpu.memory_space<vmem>> -> memref<1x4x64x128xf32, #tpu.memory_space<vmem>>
      %gather3A_200 = tpu.memref_squeeze %gather3A_199 : memref<1x4x64x128xf32, #tpu.memory_space<vmem>> -> memref<4x64x128xf32, #tpu.memory_space<vmem>>
      %gather3A_201 = tpu.vector_load_idx %gather3A_200[%broadcast_in_dim3A_173, %add3A_194, %broadcast_in_dim3A] : memref<4x64x128xf32, #tpu.memory_space<vmem>>[vector<16xi32>, vector<16xi32>, vector<16xi32>], vector<16xf32>,
      %swap3A_202 = arith.constant 1 : i32
      %swap3A_203 = arith.constant 0 : i32
      %swap3A_204 = arith.index_cast %swap3A_202 : i32 to index
      %swap3A_205 = arith.index_cast %swap3A_203 : i32 to index
      %swap3A_206 = arith.constant 16 : index
      %swap3A_207 = tpu.vector_load %arg7[%swap3A_204, %swap3A_205, %swap3A_206] {strides = array<i32>} : memref<4x1x128xf32, #tpu.memory_space<vmem>>, vector<16xf32>,
      tpu.vector_store %arg7[%swap3A_204, %swap3A_205, %swap3A_206], %gather3A_201 {strides = array<i32>} : memref<4x1x128xf32, #tpu.memory_space<vmem>>, vector<16xf32>,
      %iota3A_208 = tpu.iota {dimensions = array<i32: 0>} : vector<16xi32>
      %add3A_209 = arith.constant 32 : i32
      %add3A_210 = vector.broadcast %add3A_209 : i32 to vector<16xi32>
      %add3A_211 = arith.addi %add3A_210, %iota3A_208 : vector<16xi32>
      %gather3A_212 = arith.constant 0 : i32
      %gather3A_213 = arith.constant 0 : i32
      %gather3A_214 = arith.constant 0 : i32
      %gather3A_215 = arith.constant 0 : i32
      %gather3A_216 = tpu.memref_slice %arg6[%gather3A_212, %gather3A_213, %gather3A_214, %gather3A_215] : memref<2x4x64x128xf32, #tpu.memory_space<vmem>> -> memref<1x4x64x128xf32, #tpu.memory_space<vmem>>
      %gather3A_217 = tpu.memref_squeeze %gather3A_216 : memref<1x4x64x128xf32, #tpu.memory_space<vmem>> -> memref<4x64x128xf32, #tpu.memory_space<vmem>>
      %gather3A_218 = tpu.vector_load_idx %gather3A_217[%broadcast_in_dim3A_173, %add3A_211, %broadcast_in_dim3A] : memref<4x64x128xf32, #tpu.memory_space<vmem>>[vector<16xi32>, vector<16xi32>, vector<16xi32>], vector<16xf32>,
      %swap3A_219 = arith.constant 1 : i32
      %swap3A_220 = arith.constant 0 : i32
      %swap3A_221 = arith.index_cast %swap3A_219 : i32 to index
      %swap3A_222 = arith.index_cast %swap3A_220 : i32 to index
      %swap3A_223 = arith.constant 32 : index
      %swap3A_224 = tpu.vector_load %arg7[%swap3A_221, %swap3A_222, %swap3A_223] {strides = array<i32>} : memref<4x1x128xf32, #tpu.memory_space<vmem>>, vector<16xf32>,
      tpu.vector_store %arg7[%swap3A_221, %swap3A_222, %swap3A_223], %gather3A_218 {strides = array<i32>} : memref<4x1x128xf32, #tpu.memory_space<vmem>>, vector<16xf32>,
      %iota3A_225 = tpu.iota {dimensions = array<i32: 0>} : vector<16xi32>
      %add3A_226 = arith.constant 48 : i32
      %add3A_227 = vector.broadcast %add3A_226 : i32 to vector<16xi32>
      %add3A_228 = arith.addi %add3A_227, %iota3A_225 : vector<16xi32>
      %gather3A_229 = arith.constant 0 : i32
      %gather3A_230 = arith.constant 0 : i32
      %gather3A_231 = arith.constant 0 : i32
      %gather3A_232 = arith.constant 0 : i32
      %gather3A_233 = tpu.memref_slice %arg6[%gather3A_229, %gather3A_230, %gather3A_231, %gather3A_232] : memref<2x4x64x128xf32, #tpu.memory_space<vmem>> -> memref<1x4x64x128xf32, #tpu.memory_space<vmem>>
      %gather3A_234 = tpu.memref_squeeze %gather3A_233 : memref<1x4x64x128xf32, #tpu.memory_space<vmem>> -> memref<4x64x128xf32, #tpu.memory_space<vmem>>
      %gather3A_235 = tpu.vector_load_idx %gather3A_234[%broadcast_in_dim3A_173, %add3A_228, %broadcast_in_dim3A] : memref<4x64x128xf32, #tpu.memory_space<vmem>>[vector<16xi32>, vector<16xi32>, vector<16xi32>], vector<16xf32>,
      %swap3A_236 = arith.constant 1 : i32
      %swap3A_237 = arith.constant 0 : i32
      %swap3A_238 = arith.index_cast %swap3A_236 : i32 to index
      %swap3A_239 = arith.index_cast %swap3A_237 : i32 to index
      %swap3A_240 = arith.constant 48 : index
      %swap3A_241 = tpu.vector_load %arg7[%swap3A_238, %swap3A_239, %swap3A_240] {strides = array<i32>} : memref<4x1x128xf32, #tpu.memory_space<vmem>>, vector<16xf32>,
      tpu.vector_store %arg7[%swap3A_238, %swap3A_239, %swap3A_240], %gather3A_235 {strides = array<i32>} : memref<4x1x128xf32, #tpu.memory_space<vmem>>, vector<16xf32>,
      %broadcast_in_dim3A_242 = arith.constant 2 : i32
      %broadcast_in_dim3A_243 = vector.broadcast %broadcast_in_dim3A_242 : i32 to vector<16xi32>
      %iota3A_244 = tpu.iota {dimensions = array<i32: 0>} : vector<16xi32>
      %add3A_245 = arith.constant 0 : i32
      %add3A_246 = vector.broadcast %add3A_245 : i32 to vector<16xi32>
      %add3A_247 = arith.addi %add3A_246, %iota3A_244 : vector<16xi32>
      %gather3A_248 = arith.constant 0 : i32
      %gather3A_249 = arith.constant 0 : i32
      %gather3A_250 = arith.constant 0 : i32
      %gather3A_251 = arith.constant 0 : i32
      %gather3A_252 = tpu.memref_slice %arg6[%gather3A_248, %gather3A_249, %gather3A_250, %gather3A_251] : memref<2x4x64x128xf32, #tpu.memory_space<vmem>> -> memref<1x4x64x128xf32, #tpu.memory_space<vmem>>
      %gather3A_253 = tpu.memref_squeeze %gather3A_252 : memref<1x4x64x128xf32, #tpu.memory_space<vmem>> -> memref<4x64x128xf32, #tpu.memory_space<vmem>>
      %gather3A_254 = tpu.vector_load_idx %gather3A_253[%broadcast_in_dim3A_243, %add3A_247, %broadcast_in_dim3A] : memref<4x64x128xf32, #tpu.memory_space<vmem>>[vector<16xi32>, vector<16xi32>, vector<16xi32>], vector<16xf32>,
      %swap3A_255 = arith.constant 2 : i32
      %swap3A_256 = arith.constant 0 : i32
      %swap3A_257 = arith.index_cast %swap3A_255 : i32 to index
      %swap3A_258 = arith.index_cast %swap3A_256 : i32 to index
      %swap3A_259 = arith.constant 0 : index
      %swap3A_260 = tpu.vector_load %arg7[%swap3A_257, %swap3A_258, %swap3A_259] {strides = array<i32>} : memref<4x1x128xf32, #tpu.memory_space<vmem>>, vector<16xf32>,
      tpu.vector_store %arg7[%swap3A_257, %swap3A_258, %swap3A_259], %gather3A_254 {strides = array<i32>} : memref<4x1x128xf32, #tpu.memory_space<vmem>>, vector<16xf32>,
      %iota3A_261 = tpu.iota {dimensions = array<i32: 0>} : vector<16xi32>
      %add3A_262 = arith.constant 16 : i32
      %add3A_263 = vector.broadcast %add3A_262 : i32 to vector<16xi32>
      %add3A_264 = arith.addi %add3A_263, %iota3A_261 : vector<16xi32>
      %gather3A_265 = arith.constant 0 : i32
      %gather3A_266 = arith.constant 0 : i32
      %gather3A_267 = arith.constant 0 : i32
      %gather3A_268 = arith.constant 0 : i32
      %gather3A_269 = tpu.memref_slice %arg6[%gather3A_265, %gather3A_266, %gather3A_267, %gather3A_268] : memref<2x4x64x128xf32, #tpu.memory_space<vmem>> -> memref<1x4x64x128xf32, #tpu.memory_space<vmem>>
      %gather3A_270 = tpu.memref_squeeze %gather3A_269 : memref<1x4x64x128xf32, #tpu.memory_space<vmem>> -> memref<4x64x128xf32, #tpu.memory_space<vmem>>
      %gather3A_271 = tpu.vector_load_idx %gather3A_270[%broadcast_in_dim3A_243, %add3A_264, %broadcast_in_dim3A] : memref<4x64x128xf32, #tpu.memory_space<vmem>>[vector<16xi32>, vector<16xi32>, vector<16xi32>], vector<16xf32>,
      %swap3A_272 = arith.constant 2 : i32
      %swap3A_273 = arith.constant 0 : i32
      %swap3A_274 = arith.index_cast %swap3A_272 : i32 to index
      %swap3A_275 = arith.index_cast %swap3A_273 : i32 to index
      %swap3A_276 = arith.constant 16 : index
      %swap3A_277 = tpu.vector_load %arg7[%swap3A_274, %swap3A_275, %swap3A_276] {strides = array<i32>} : memref<4x1x128xf32, #tpu.memory_space<vmem>>, vector<16xf32>,
      tpu.vector_store %arg7[%swap3A_274, %swap3A_275, %swap3A_276], %gather3A_271 {strides = array<i32>} : memref<4x1x128xf32, #tpu.memory_space<vmem>>, vector<16xf32>,
      %iota3A_278 = tpu.iota {dimensions = array<i32: 0>} : vector<16xi32>
      %add3A_279 = arith.constant 32 : i32
      %add3A_280 = vector.broadcast %add3A_279 : i32 to vector<16xi32>
      %add3A_281 = arith.addi %add3A_280, %iota3A_278 : vector<16xi32>
      %gather3A_282 = arith.constant 0 : i32
      %gather3A_283 = arith.constant 0 : i32
      %gather3A_284 = arith.constant 0 : i32
      %gather3A_285 = arith.constant 0 : i32
      %gather3A_286 = tpu.memref_slice %arg6[%gather3A_282, %gather3A_283, %gather3A_284, %gather3A_285] : memref<2x4x64x128xf32, #tpu.memory_space<vmem>> -> memref<1x4x64x128xf32, #tpu.memory_space<vmem>>
      %gather3A_287 = tpu.memref_squeeze %gather3A_286 : memref<1x4x64x128xf32, #tpu.memory_space<vmem>> -> memref<4x64x128xf32, #tpu.memory_space<vmem>>
      %gather3A_288 = tpu.vector_load_idx %gather3A_287[%broadcast_in_dim3A_243, %add3A_281, %broadcast_in_dim3A] : memref<4x64x128xf32, #tpu.memory_space<vmem>>[vector<16xi32>, vector<16xi32>, vector<16xi32>], vector<16xf32>,
      %swap3A_289 = arith.constant 2 : i32
      %swap3A_290 = arith.constant 0 : i32
      %swap3A_291 = arith.index_cast %swap3A_289 : i32 to index
      %swap3A_292 = arith.index_cast %swap3A_290 : i32 to index
      %swap3A_293 = arith.constant 32 : index
      %swap3A_294 = tpu.vector_load %arg7[%swap3A_291, %swap3A_292, %swap3A_293] {strides = array<i32>} : memref<4x1x128xf32, #tpu.memory_space<vmem>>, vector<16xf32>,
      tpu.vector_store %arg7[%swap3A_291, %swap3A_292, %swap3A_293], %gather3A_288 {strides = array<i32>} : memref<4x1x128xf32, #tpu.memory_space<vmem>>, vector<16xf32>,
      %iota3A_295 = tpu.iota {dimensions = array<i32: 0>} : vector<16xi32>
      %add3A_296 = arith.constant 48 : i32
      %add3A_297 = vector.broadcast %add3A_296 : i32 to vector<16xi32>
      %add3A_298 = arith.addi %add3A_297, %iota3A_295 : vector<16xi32>
      %gather3A_299 = arith.constant 0 : i32
      %gather3A_300 = arith.constant 0 : i32
      %gather3A_301 = arith.constant 0 : i32
      %gather3A_302 = arith.constant 0 : i32
      %gather3A_303 = tpu.memref_slice %arg6[%gather3A_299, %gather3A_300, %gather3A_301, %gather3A_302] : memref<2x4x64x128xf32, #tpu.memory_space<vmem>> -> memref<1x4x64x128xf32, #tpu.memory_space<vmem>>
      %gather3A_304 = tpu.memref_squeeze %gather3A_303 : memref<1x4x64x128xf32, #tpu.memory_space<vmem>> -> memref<4x64x128xf32, #tpu.memory_space<vmem>>
      %gather3A_305 = tpu.vector_load_idx %gather3A_304[%broadcast_in_dim3A_243, %add3A_298, %broadcast_in_dim3A] : memref<4x64x128xf32, #tpu.memory_space<vmem>>[vector<16xi32>, vector<16xi32>, vector<16xi32>], vector<16xf32>,
      %swap3A_306 = arith.constant 2 : i32
      %swap3A_307 = arith.constant 0 : i32
      %swap3A_308 = arith.index_cast %swap3A_306 : i32 to index
      %swap3A_309 = arith.index_cast %swap3A_307 : i32 to index
      %swap3A_310 = arith.constant 48 : index
      %swap3A_311 = tpu.vector_load %arg7[%swap3A_308, %swap3A_309, %swap3A_310] {strides = array<i32>} : memref<4x1x128xf32, #tpu.memory_space<vmem>>, vector<16xf32>,
      tpu.vector_store %arg7[%swap3A_308, %swap3A_309, %swap3A_310], %gather3A_305 {strides = array<i32>} : memref<4x1x128xf32, #tpu.memory_space<vmem>>, vector<16xf32>,
      %broadcast_in_dim3A_312 = arith.constant 3 : i32
      %broadcast_in_dim3A_313 = vector.broadcast %broadcast_in_dim3A_312 : i32 to vector<16xi32>
      %iota3A_314 = tpu.iota {dimensions = array<i32: 0>} : vector<16xi32>
      %add3A_315 = arith.constant 0 : i32
      %add3A_316 = vector.broadcast %add3A_315 : i32 to vector<16xi32>
      %add3A_317 = arith.addi %add3A_316, %iota3A_314 : vector<16xi32>
      %gather3A_318 = arith.constant 0 : i32
      %gather3A_319 = arith.constant 0 : i32
      %gather3A_320 = arith.constant 0 : i32
      %gather3A_321 = arith.constant 0 : i32
      %gather3A_322 = tpu.memref_slice %arg6[%gather3A_318, %gather3A_319, %gather3A_320, %gather3A_321] : memref<2x4x64x128xf32, #tpu.memory_space<vmem>> -> memref<1x4x64x128xf32, #tpu.memory_space<vmem>>
      %gather3A_323 = tpu.memref_squeeze %gather3A_322 : memref<1x4x64x128xf32, #tpu.memory_space<vmem>> -> memref<4x64x128xf32, #tpu.memory_space<vmem>>
      %gather3A_324 = tpu.vector_load_idx %gather3A_323[%broadcast_in_dim3A_313, %add3A_317, %broadcast_in_dim3A] : memref<4x64x128xf32, #tpu.memory_space<vmem>>[vector<16xi32>, vector<16xi32>, vector<16xi32>], vector<16xf32>,
      %swap3A_325 = arith.constant 3 : i32
      %swap3A_326 = arith.constant 0 : i32
      %swap3A_327 = arith.index_cast %swap3A_325 : i32 to index
      %swap3A_328 = arith.index_cast %swap3A_326 : i32 to index
      %swap3A_329 = arith.constant 0 : index
      %swap3A_330 = tpu.vector_load %arg7[%swap3A_327, %swap3A_328, %swap3A_329] {strides = array<i32>} : memref<4x1x128xf32, #tpu.memory_space<vmem>>, vector<16xf32>,
      tpu.vector_store %arg7[%swap3A_327, %swap3A_328, %swap3A_329], %gather3A_324 {strides = array<i32>} : memref<4x1x128xf32, #tpu.memory_space<vmem>>, vector<16xf32>,
      %iota3A_331 = tpu.iota {dimensions = array<i32: 0>} : vector<16xi32>
      %add3A_332 = arith.constant 16 : i32
      %add3A_333 = vector.broadcast %add3A_332 : i32 to vector<16xi32>
      %add3A_334 = arith.addi %add3A_333, %iota3A_331 : vector<16xi32>
      %gather3A_335 = arith.constant 0 : i32
      %gather3A_336 = arith.constant 0 : i32
      %gather3A_337 = arith.constant 0 : i32
      %gather3A_338 = arith.constant 0 : i32
      %gather3A_339 = tpu.memref_slice %arg6[%gather3A_335, %gather3A_336, %gather3A_337, %gather3A_338] : memref<2x4x64x128xf32, #tpu.memory_space<vmem>> -> memref<1x4x64x128xf32, #tpu.memory_space<vmem>>
      %gather3A_340 = tpu.memref_squeeze %gather3A_339 : memref<1x4x64x128xf32, #tpu.memory_space<vmem>> -> memref<4x64x128xf32, #tpu.memory_space<vmem>>
      %gather3A_341 = tpu.vector_load_idx %gather3A_340[%broadcast_in_dim3A_313, %add3A_334, %broadcast_in_dim3A] : memref<4x64x128xf32, #tpu.memory_space<vmem>>[vector<16xi32>, vector<16xi32>, vector<16xi32>], vector<16xf32>,
      %swap3A_342 = arith.constant 3 : i32
      %swap3A_343 = arith.constant 0 : i32
      %swap3A_344 = arith.index_cast %swap3A_342 : i32 to index
      %swap3A_345 = arith.index_cast %swap3A_343 : i32 to index
      %swap3A_346 = arith.constant 16 : index
      %swap3A_347 = tpu.vector_load %arg7[%swap3A_344, %swap3A_345, %swap3A_346] {strides = array<i32>} : memref<4x1x128xf32, #tpu.memory_space<vmem>>, vector<16xf32>,
      tpu.vector_store %arg7[%swap3A_344, %swap3A_345, %swap3A_346], %gather3A_341 {strides = array<i32>} : memref<4x1x128xf32, #tpu.memory_space<vmem>>, vector<16xf32>,
      %iota3A_348 = tpu.iota {dimensions = array<i32: 0>} : vector<16xi32>
      %add3A_349 = arith.constant 32 : i32
      %add3A_350 = vector.broadcast %add3A_349 : i32 to vector<16xi32>
      %add3A_351 = arith.addi %add3A_350, %iota3A_348 : vector<16xi32>
      %gather3A_352 = arith.constant 0 : i32
      %gather3A_353 = arith.constant 0 : i32
      %gather3A_354 = arith.constant 0 : i32
      %gather3A_355 = arith.constant 0 : i32
      %gather3A_356 = tpu.memref_slice %arg6[%gather3A_352, %gather3A_353, %gather3A_354, %gather3A_355] : memref<2x4x64x128xf32, #tpu.memory_space<vmem>> -> memref<1x4x64x128xf32, #tpu.memory_space<vmem>>
      %gather3A_357 = tpu.memref_squeeze %gather3A_356 : memref<1x4x64x128xf32, #tpu.memory_space<vmem>> -> memref<4x64x128xf32, #tpu.memory_space<vmem>>
      %gather3A_358 = tpu.vector_load_idx %gather3A_357[%broadcast_in_dim3A_313, %add3A_351, %broadcast_in_dim3A] : memref<4x64x128xf32, #tpu.memory_space<vmem>>[vector<16xi32>, vector<16xi32>, vector<16xi32>], vector<16xf32>,
      %swap3A_359 = arith.constant 3 : i32
      %swap3A_360 = arith.constant 0 : i32
      %swap3A_361 = arith.index_cast %swap3A_359 : i32 to index
      %swap3A_362 = arith.index_cast %swap3A_360 : i32 to index
      %swap3A_363 = arith.constant 32 : index
      %swap3A_364 = tpu.vector_load %arg7[%swap3A_361, %swap3A_362, %swap3A_363] {strides = array<i32>} : memref<4x1x128xf32, #tpu.memory_space<vmem>>, vector<16xf32>,
      tpu.vector_store %arg7[%swap3A_361, %swap3A_362, %swap3A_363], %gather3A_358 {strides = array<i32>} : memref<4x1x128xf32, #tpu.memory_space<vmem>>, vector<16xf32>,
      %iota3A_365 = tpu.iota {dimensions = array<i32: 0>} : vector<16xi32>
      %add3A_366 = arith.constant 48 : i32
      %add3A_367 = vector.broadcast %add3A_366 : i32 to vector<16xi32>
      %add3A_368 = arith.addi %add3A_367, %iota3A_365 : vector<16xi32>
      %gather3A_369 = arith.constant 0 : i32
      %gather3A_370 = arith.constant 0 : i32
      %gather3A_371 = arith.constant 0 : i32
      %gather3A_372 = arith.constant 0 : i32
      %gather3A_373 = tpu.memref_slice %arg6[%gather3A_369, %gather3A_370, %gather3A_371, %gather3A_372] : memref<2x4x64x128xf32, #tpu.memory_space<vmem>> -> memref<1x4x64x128xf32, #tpu.memory_space<vmem>>
      %gather3A_374 = tpu.memref_squeeze %gather3A_373 : memref<1x4x64x128xf32, #tpu.memory_space<vmem>> -> memref<4x64x128xf32, #tpu.memory_space<vmem>>
      %gather3A_375 = tpu.vector_load_idx %gather3A_374[%broadcast_in_dim3A_313, %add3A_368, %broadcast_in_dim3A] : memref<4x64x128xf32, #tpu.memory_space<vmem>>[vector<16xi32>, vector<16xi32>, vector<16xi32>], vector<16xf32>,
      %swap3A_376 = arith.constant 3 : i32
      %swap3A_377 = arith.constant 0 : i32
      %swap3A_378 = arith.index_cast %swap3A_376 : i32 to index
      %swap3A_379 = arith.index_cast %swap3A_377 : i32 to index
      %swap3A_380 = arith.constant 48 : index
      %swap3A_381 = tpu.vector_load %arg7[%swap3A_378, %swap3A_379, %swap3A_380] {strides = array<i32>} : memref<4x1x128xf32, #tpu.memory_space<vmem>>, vector<16xf32>,
      tpu.vector_store %arg7[%swap3A_378, %swap3A_379, %swap3A_380], %gather3A_375 {strides = array<i32>} : memref<4x1x128xf32, #tpu.memory_space<vmem>>, vector<16xf32>,
      %dma_wait3A_382 = arith.constant 1 : i32
      %dma_wait3A_383 = arith.constant 0 : i32
      %dma_wait3A_384 = arith.constant 0 : i32
      %dma_wait3A_385 = arith.constant 0 : i32
      %dma_wait3A_386 = tpu.memref_slice %arg6[%dma_wait3A_382, %dma_wait3A_383, %dma_wait3A_384, %dma_wait3A_385] : memref<2x4x64x128xf32, #tpu.memory_space<vmem>> -> memref<1x4x64x128xf32, #tpu.memory_space<vmem>>
      %dma_wait3A_387 = tpu.memref_squeeze %dma_wait3A_386 : memref<1x4x64x128xf32, #tpu.memory_space<vmem>> -> memref<4x64x128xf32, #tpu.memory_space<vmem>>
      %dma_wait3A_388 = arith.constant 0 : i32
      %dma_wait3A_389 = arith.constant 0 : i32
      %dma_wait3A_390 = tpu.memref_slice %arg3[%dma_wait3A_388, %dma_wait3A_389, %mul3A_70] : memref<4x64x100000xf32, #tpu.memory_space<hbm>> -> memref<4x64x128xf32, #tpu.memory_space<hbm>>
      %dma_wait3A_391 = arith.constant 0 : i32
      %dma_wait3A_392 = arith.constant 0 : i32
      %dma_wait3A_393 = arith.constant 0 : i32
      %dma_wait3A_394 = tpu.memref_slice %arg6[%dma_wait3A_382, %dma_wait3A_391, %dma_wait3A_392, %dma_wait3A_393] : memref<2x4x64x128xf32, #tpu.memory_space<vmem>> -> memref<1x4x64x128xf32, #tpu.memory_space<vmem>>
      %dma_wait3A_395 = tpu.memref_squeeze %dma_wait3A_394 : memref<1x4x64x128xf32, #tpu.memory_space<vmem>> -> memref<4x64x128xf32, #tpu.memory_space<vmem>>
      %dma_wait3A_396 = arith.constant 0 : i32
      %dma_wait3A_397 = arith.constant 0 : i32
      %dma_wait3A_398 = tpu.memref_slice %arg3[%dma_wait3A_396, %dma_wait3A_397, %mul3A_70] : memref<4x64x100000xf32, #tpu.memory_space<hbm>> -> memref<4x64x128xf32, #tpu.memory_space<hbm>>
      tpu.wait_dma2 semaphore(%arg8 : memref<!tpu.dma_semaphore, #tpu.memory_space<semaphore_mem>>) src(%dma_wait3A_398 : memref<4x64x128xf32, #tpu.memory_space<hbm>>) dst(%dma_wait3A_395 : memref<4x64x128xf32, #tpu.memory_space<vmem>>)
      %broadcast_in_dim3A_399 = vector.broadcast %sub3A_88 : i32 to vector<16xi32>
      %broadcast_in_dim3A_400 = arith.constant 0 : i32
      %broadcast_in_dim3A_401 = vector.broadcast %broadcast_in_dim3A_400 : i32 to vector<16xi32>
      %iota3A_402 = tpu.iota {dimensions = array<i32: 0>} : vector<16xi32>
      %add3A_403 = arith.constant 0 : i32
      %add3A_404 = vector.broadcast %add3A_403 : i32 to vector<16xi32>
      %add3A_405 = arith.addi %add3A_404, %iota3A_402 : vector<16xi32>
      %gather3A_406 = arith.constant 1 : i32
      %gather3A_407 = arith.constant 0 : i32
      %gather3A_408 = arith.constant 0 : i32
      %gather3A_409 = arith.constant 0 : i32
      %gather3A_410 = tpu.memref_slice %arg6[%gather3A_406, %gather3A_407, %gather3A_408, %gather3A_409] : memref<2x4x64x128xf32, #tpu.memory_space<vmem>> -> memref<1x4x64x128xf32, #tpu.memory_space<vmem>>
      %gather3A_411 = tpu.memref_squeeze %gather3A_410 : memref<1x4x64x128xf32, #tpu.memory_space<vmem>> -> memref<4x64x128xf32, #tpu.memory_space<vmem>>
      %gather3A_412 = tpu.vector_load_idx %gather3A_411[%broadcast_in_dim3A_401, %add3A_405, %broadcast_in_dim3A_399] : memref<4x64x128xf32, #tpu.memory_space<vmem>>[vector<16xi32>, vector<16xi32>, vector<16xi32>], vector<16xf32>,
      %swap3A_413 = arith.constant 0 : i32
      %swap3A_414 = arith.constant 0 : i32
      %swap3A_415 = arith.index_cast %swap3A_413 : i32 to index
      %swap3A_416 = arith.index_cast %swap3A_414 : i32 to index
      %swap3A_417 = arith.constant 64 : index
      %swap3A_418 = tpu.vector_load %arg7[%swap3A_415, %swap3A_416, %swap3A_417] {strides = array<i32>} : memref<4x1x128xf32, #tpu.memory_space<vmem>>, vector<16xf32>,
      tpu.vector_store %arg7[%swap3A_415, %swap3A_416, %swap3A_417], %gather3A_412 {strides = array<i32>} : memref<4x1x128xf32, #tpu.memory_space<vmem>>, vector<16xf32>,
      %iota3A_419 = tpu.iota {dimensions = array<i32: 0>} : vector<16xi32>
      %add3A_420 = arith.constant 16 : i32
      %add3A_421 = vector.broadcast %add3A_420 : i32 to vector<16xi32>
      %add3A_422 = arith.addi %add3A_421, %iota3A_419 : vector<16xi32>
      %gather3A_423 = arith.constant 1 : i32
      %gather3A_424 = arith.constant 0 : i32
      %gather3A_425 = arith.constant 0 : i32
      %gather3A_426 = arith.constant 0 : i32
      %gather3A_427 = tpu.memref_slice %arg6[%gather3A_423, %gather3A_424, %gather3A_425, %gather3A_426] : memref<2x4x64x128xf32, #tpu.memory_space<vmem>> -> memref<1x4x64x128xf32, #tpu.memory_space<vmem>>
      %gather3A_428 = tpu.memref_squeeze %gather3A_427 : memref<1x4x64x128xf32, #tpu.memory_space<vmem>> -> memref<4x64x128xf32, #tpu.memory_space<vmem>>
      %gather3A_429 = tpu.vector_load_idx %gather3A_428[%broadcast_in_dim3A_401, %add3A_422, %broadcast_in_dim3A_399] : memref<4x64x128xf32, #tpu.memory_space<vmem>>[vector<16xi32>, vector<16xi32>, vector<16xi32>], vector<16xf32>,
      %swap3A_430 = arith.constant 0 : i32
      %swap3A_431 = arith.constant 0 : i32
      %swap3A_432 = arith.index_cast %swap3A_430 : i32 to index
      %swap3A_433 = arith.index_cast %swap3A_431 : i32 to index
      %swap3A_434 = arith.constant 80 : index
      %swap3A_435 = tpu.vector_load %arg7[%swap3A_432, %swap3A_433, %swap3A_434] {strides = array<i32>} : memref<4x1x128xf32, #tpu.memory_space<vmem>>, vector<16xf32>,
      tpu.vector_store %arg7[%swap3A_432, %swap3A_433, %swap3A_434], %gather3A_429 {strides = array<i32>} : memref<4x1x128xf32, #tpu.memory_space<vmem>>, vector<16xf32>,
      %iota3A_436 = tpu.iota {dimensions = array<i32: 0>} : vector<16xi32>
      %add3A_437 = arith.constant 32 : i32
      %add3A_438 = vector.broadcast %add3A_437 : i32 to vector<16xi32>
      %add3A_439 = arith.addi %add3A_438, %iota3A_436 : vector<16xi32>
      %gather3A_440 = arith.constant 1 : i32
      %gather3A_441 = arith.constant 0 : i32
      %gather3A_442 = arith.constant 0 : i32
      %gather3A_443 = arith.constant 0 : i32
      %gather3A_444 = tpu.memref_slice %arg6[%gather3A_440, %gather3A_441, %gather3A_442, %gather3A_443] : memref<2x4x64x128xf32, #tpu.memory_space<vmem>> -> memref<1x4x64x128xf32, #tpu.memory_space<vmem>>
      %gather3A_445 = tpu.memref_squeeze %gather3A_444 : memref<1x4x64x128xf32, #tpu.memory_space<vmem>> -> memref<4x64x128xf32, #tpu.memory_space<vmem>>
      %gather3A_446 = tpu.vector_load_idx %gather3A_445[%broadcast_in_dim3A_401, %add3A_439, %broadcast_in_dim3A_399] : memref<4x64x128xf32, #tpu.memory_space<vmem>>[vector<16xi32>, vector<16xi32>, vector<16xi32>], vector<16xf32>,
      %swap3A_447 = arith.constant 0 : i32
      %swap3A_448 = arith.constant 0 : i32
      %swap3A_449 = arith.index_cast %swap3A_447 : i32 to index
      %swap3A_450 = arith.index_cast %swap3A_448 : i32 to index
      %swap3A_451 = arith.constant 96 : index
      %swap3A_452 = tpu.vector_load %arg7[%swap3A_449, %swap3A_450, %swap3A_451] {strides = array<i32>} : memref<4x1x128xf32, #tpu.memory_space<vmem>>, vector<16xf32>,
      tpu.vector_store %arg7[%swap3A_449, %swap3A_450, %swap3A_451], %gather3A_446 {strides = array<i32>} : memref<4x1x128xf32, #tpu.memory_space<vmem>>, vector<16xf32>,
      %iota3A_453 = tpu.iota {dimensions = array<i32: 0>} : vector<16xi32>
      %add3A_454 = arith.constant 48 : i32
      %add3A_455 = vector.broadcast %add3A_454 : i32 to vector<16xi32>
      %add3A_456 = arith.addi %add3A_455, %iota3A_453 : vector<16xi32>
      %gather3A_457 = arith.constant 1 : i32
      %gather3A_458 = arith.constant 0 : i32
      %gather3A_459 = arith.constant 0 : i32
      %gather3A_460 = arith.constant 0 : i32
      %gather3A_461 = tpu.memref_slice %arg6[%gather3A_457, %gather3A_458, %gather3A_459, %gather3A_460] : memref<2x4x64x128xf32, #tpu.memory_space<vmem>> -> memref<1x4x64x128xf32, #tpu.memory_space<vmem>>
      %gather3A_462 = tpu.memref_squeeze %gather3A_461 : memref<1x4x64x128xf32, #tpu.memory_space<vmem>> -> memref<4x64x128xf32, #tpu.memory_space<vmem>>
      %gather3A_463 = tpu.vector_load_idx %gather3A_462[%broadcast_in_dim3A_401, %add3A_456, %broadcast_in_dim3A_399] : memref<4x64x128xf32, #tpu.memory_space<vmem>>[vector<16xi32>, vector<16xi32>, vector<16xi32>], vector<16xf32>,
      %swap3A_464 = arith.constant 0 : i32
      %swap3A_465 = arith.constant 0 : i32
      %swap3A_466 = arith.index_cast %swap3A_464 : i32 to index
      %swap3A_467 = arith.index_cast %swap3A_465 : i32 to index
      %swap3A_468 = arith.constant 112 : index
      %swap3A_469 = tpu.vector_load %arg7[%swap3A_466, %swap3A_467, %swap3A_468] {strides = array<i32>} : memref<4x1x128xf32, #tpu.memory_space<vmem>>, vector<16xf32>,
      tpu.vector_store %arg7[%swap3A_466, %swap3A_467, %swap3A_468], %gather3A_463 {strides = array<i32>} : memref<4x1x128xf32, #tpu.memory_space<vmem>>, vector<16xf32>,
      %broadcast_in_dim3A_470 = arith.constant 1 : i32
      %broadcast_in_dim3A_471 = vector.broadcast %broadcast_in_dim3A_470 : i32 to vector<16xi32>
      %iota3A_472 = tpu.iota {dimensions = array<i32: 0>} : vector<16xi32>
      %add3A_473 = arith.constant 0 : i32
      %add3A_474 = vector.broadcast %add3A_473 : i32 to vector<16xi32>
      %add3A_475 = arith.addi %add3A_474, %iota3A_472 : vector<16xi32>
      %gather3A_476 = arith.constant 1 : i32
      %gather3A_477 = arith.constant 0 : i32
      %gather3A_478 = arith.constant 0 : i32
      %gather3A_479 = arith.constant 0 : i32
      %gather3A_480 = tpu.memref_slice %arg6[%gather3A_476, %gather3A_477, %gather3A_478, %gather3A_479] : memref<2x4x64x128xf32, #tpu.memory_space<vmem>> -> memref<1x4x64x128xf32, #tpu.memory_space<vmem>>
      %gather3A_481 = tpu.memref_squeeze %gather3A_480 : memref<1x4x64x128xf32, #tpu.memory_space<vmem>> -> memref<4x64x128xf32, #tpu.memory_space<vmem>>
      %gather3A_482 = tpu.vector_load_idx %gather3A_481[%broadcast_in_dim3A_471, %add3A_475, %broadcast_in_dim3A_399] : memref<4x64x128xf32, #tpu.memory_space<vmem>>[vector<16xi32>, vector<16xi32>, vector<16xi32>], vector<16xf32>,
      %swap3A_483 = arith.constant 1 : i32
      %swap3A_484 = arith.constant 0 : i32
      %swap3A_485 = arith.index_cast %swap3A_483 : i32 to index
      %swap3A_486 = arith.index_cast %swap3A_484 : i32 to index
      %swap3A_487 = arith.constant 64 : index
      %swap3A_488 = tpu.vector_load %arg7[%swap3A_485, %swap3A_486, %swap3A_487] {strides = array<i32>} : memref<4x1x128xf32, #tpu.memory_space<vmem>>, vector<16xf32>,
      tpu.vector_store %arg7[%swap3A_485, %swap3A_486, %swap3A_487], %gather3A_482 {strides = array<i32>} : memref<4x1x128xf32, #tpu.memory_space<vmem>>, vector<16xf32>,
      %iota3A_489 = tpu.iota {dimensions = array<i32: 0>} : vector<16xi32>
      %add3A_490 = arith.constant 16 : i32
      %add3A_491 = vector.broadcast %add3A_490 : i32 to vector<16xi32>
      %add3A_492 = arith.addi %add3A_491, %iota3A_489 : vector<16xi32>
      %gather3A_493 = arith.constant 1 : i32
      %gather3A_494 = arith.constant 0 : i32
      %gather3A_495 = arith.constant 0 : i32
      %gather3A_496 = arith.constant 0 : i32
      %gather3A_497 = tpu.memref_slice %arg6[%gather3A_493, %gather3A_494, %gather3A_495, %gather3A_496] : memref<2x4x64x128xf32, #tpu.memory_space<vmem>> -> memref<1x4x64x128xf32, #tpu.memory_space<vmem>>
      %gather3A_498 = tpu.memref_squeeze %gather3A_497 : memref<1x4x64x128xf32, #tpu.memory_space<vmem>> -> memref<4x64x128xf32, #tpu.memory_space<vmem>>
      %gather3A_499 = tpu.vector_load_idx %gather3A_498[%broadcast_in_dim3A_471, %add3A_492, %broadcast_in_dim3A_399] : memref<4x64x128xf32, #tpu.memory_space<vmem>>[vector<16xi32>, vector<16xi32>, vector<16xi32>], vector<16xf32>,
      %swap3A_500 = arith.constant 1 : i32
      %swap3A_501 = arith.constant 0 : i32
      %swap3A_502 = arith.index_cast %swap3A_500 : i32 to index
      %swap3A_503 = arith.index_cast %swap3A_501 : i32 to index
      %swap3A_504 = arith.constant 80 : index
      %swap3A_505 = tpu.vector_load %arg7[%swap3A_502, %swap3A_503, %swap3A_504] {strides = array<i32>} : memref<4x1x128xf32, #tpu.memory_space<vmem>>, vector<16xf32>,
      tpu.vector_store %arg7[%swap3A_502, %swap3A_503, %swap3A_504], %gather3A_499 {strides = array<i32>} : memref<4x1x128xf32, #tpu.memory_space<vmem>>, vector<16xf32>,
      %iota3A_506 = tpu.iota {dimensions = array<i32: 0>} : vector<16xi32>
      %add3A_507 = arith.constant 32 : i32
      %add3A_508 = vector.broadcast %add3A_507 : i32 to vector<16xi32>
      %add3A_509 = arith.addi %add3A_508, %iota3A_506 : vector<16xi32>
      %gather3A_510 = arith.constant 1 : i32
      %gather3A_511 = arith.constant 0 : i32
      %gather3A_512 = arith.constant 0 : i32
      %gather3A_513 = arith.constant 0 : i32
      %gather3A_514 = tpu.memref_slice %arg6[%gather3A_510, %gather3A_511, %gather3A_512, %gather3A_513] : memref<2x4x64x128xf32, #tpu.memory_space<vmem>> -> memref<1x4x64x128xf32, #tpu.memory_space<vmem>>
      %gather3A_515 = tpu.memref_squeeze %gather3A_514 : memref<1x4x64x128xf32, #tpu.memory_space<vmem>> -> memref<4x64x128xf32, #tpu.memory_space<vmem>>
      %gather3A_516 = tpu.vector_load_idx %gather3A_515[%broadcast_in_dim3A_471, %add3A_509, %broadcast_in_dim3A_399] : memref<4x64x128xf32, #tpu.memory_space<vmem>>[vector<16xi32>, vector<16xi32>, vector<16xi32>], vector<16xf32>,
      %swap3A_517 = arith.constant 1 : i32
      %swap3A_518 = arith.constant 0 : i32
      %swap3A_519 = arith.index_cast %swap3A_517 : i32 to index
      %swap3A_520 = arith.index_cast %swap3A_518 : i32 to index
      %swap3A_521 = arith.constant 96 : index
      %swap3A_522 = tpu.vector_load %arg7[%swap3A_519, %swap3A_520, %swap3A_521] {strides = array<i32>} : memref<4x1x128xf32, #tpu.memory_space<vmem>>, vector<16xf32>,
      tpu.vector_store %arg7[%swap3A_519, %swap3A_520, %swap3A_521], %gather3A_516 {strides = array<i32>} : memref<4x1x128xf32, #tpu.memory_space<vmem>>, vector<16xf32>,
      %iota3A_523 = tpu.iota {dimensions = array<i32: 0>} : vector<16xi32>
      %add3A_524 = arith.constant 48 : i32
      %add3A_525 = vector.broadcast %add3A_524 : i32 to vector<16xi32>
      %add3A_526 = arith.addi %add3A_525, %iota3A_523 : vector<16xi32>
      %gather3A_527 = arith.constant 1 : i32
      %gather3A_528 = arith.constant 0 : i32
      %gather3A_529 = arith.constant 0 : i32
      %gather3A_530 = arith.constant 0 : i32
      %gather3A_531 = tpu.memref_slice %arg6[%gather3A_527, %gather3A_528, %gather3A_529, %gather3A_530] : memref<2x4x64x128xf32, #tpu.memory_space<vmem>> -> memref<1x4x64x128xf32, #tpu.memory_space<vmem>>
      %gather3A_532 = tpu.memref_squeeze %gather3A_531 : memref<1x4x64x128xf32, #tpu.memory_space<vmem>> -> memref<4x64x128xf32, #tpu.memory_space<vmem>>
      %gather3A_533 = tpu.vector_load_idx %gather3A_532[%broadcast_in_dim3A_471, %add3A_526, %broadcast_in_dim3A_399] : memref<4x64x128xf32, #tpu.memory_space<vmem>>[vector<16xi32>, vector<16xi32>, vector<16xi32>], vector<16xf32>,
      %swap3A_534 = arith.constant 1 : i32
      %swap3A_535 = arith.constant 0 : i32
      %swap3A_536 = arith.index_cast %swap3A_534 : i32 to index
      %swap3A_537 = arith.index_cast %swap3A_535 : i32 to index
      %swap3A_538 = arith.constant 112 : index
      %swap3A_539 = tpu.vector_load %arg7[%swap3A_536, %swap3A_537, %swap3A_538] {strides = array<i32>} : memref<4x1x128xf32, #tpu.memory_space<vmem>>, vector<16xf32>,
      tpu.vector_store %arg7[%swap3A_536, %swap3A_537, %swap3A_538], %gather3A_533 {strides = array<i32>} : memref<4x1x128xf32, #tpu.memory_space<vmem>>, vector<16xf32>,
      %broadcast_in_dim3A_540 = arith.constant 2 : i32
      %broadcast_in_dim3A_541 = vector.broadcast %broadcast_in_dim3A_540 : i32 to vector<16xi32>
      %iota3A_542 = tpu.iota {dimensions = array<i32: 0>} : vector<16xi32>
      %add3A_543 = arith.constant 0 : i32
      %add3A_544 = vector.broadcast %add3A_543 : i32 to vector<16xi32>
      %add3A_545 = arith.addi %add3A_544, %iota3A_542 : vector<16xi32>
      %gather3A_546 = arith.constant 1 : i32
      %gather3A_547 = arith.constant 0 : i32
      %gather3A_548 = arith.constant 0 : i32
      %gather3A_549 = arith.constant 0 : i32
      %gather3A_550 = tpu.memref_slice %arg6[%gather3A_546, %gather3A_547, %gather3A_548, %gather3A_549] : memref<2x4x64x128xf32, #tpu.memory_space<vmem>> -> memref<1x4x64x128xf32, #tpu.memory_space<vmem>>
      %gather3A_551 = tpu.memref_squeeze %gather3A_550 : memref<1x4x64x128xf32, #tpu.memory_space<vmem>> -> memref<4x64x128xf32, #tpu.memory_space<vmem>>
      %gather3A_552 = tpu.vector_load_idx %gather3A_551[%broadcast_in_dim3A_541, %add3A_545, %broadcast_in_dim3A_399] : memref<4x64x128xf32, #tpu.memory_space<vmem>>[vector<16xi32>, vector<16xi32>, vector<16xi32>], vector<16xf32>,
      %swap3A_553 = arith.constant 2 : i32
      %swap3A_554 = arith.constant 0 : i32
      %swap3A_555 = arith.index_cast %swap3A_553 : i32 to index
      %swap3A_556 = arith.index_cast %swap3A_554 : i32 to index
      %swap3A_557 = arith.constant 64 : index
      %swap3A_558 = tpu.vector_load %arg7[%swap3A_555, %swap3A_556, %swap3A_557] {strides = array<i32>} : memref<4x1x128xf32, #tpu.memory_space<vmem>>, vector<16xf32>,
      tpu.vector_store %arg7[%swap3A_555, %swap3A_556, %swap3A_557], %gather3A_552 {strides = array<i32>} : memref<4x1x128xf32, #tpu.memory_space<vmem>>, vector<16xf32>,
      %iota3A_559 = tpu.iota {dimensions = array<i32: 0>} : vector<16xi32>
      %add3A_560 = arith.constant 16 : i32
      %add3A_561 = vector.broadcast %add3A_560 : i32 to vector<16xi32>
      %add3A_562 = arith.addi %add3A_561, %iota3A_559 : vector<16xi32>
      %gather3A_563 = arith.constant 1 : i32
      %gather3A_564 = arith.constant 0 : i32
      %gather3A_565 = arith.constant 0 : i32
      %gather3A_566 = arith.constant 0 : i32
      %gather3A_567 = tpu.memref_slice %arg6[%gather3A_563, %gather3A_564, %gather3A_565, %gather3A_566] : memref<2x4x64x128xf32, #tpu.memory_space<vmem>> -> memref<1x4x64x128xf32, #tpu.memory_space<vmem>>
      %gather3A_568 = tpu.memref_squeeze %gather3A_567 : memref<1x4x64x128xf32, #tpu.memory_space<vmem>> -> memref<4x64x128xf32, #tpu.memory_space<vmem>>
      %gather3A_569 = tpu.vector_load_idx %gather3A_568[%broadcast_in_dim3A_541, %add3A_562, %broadcast_in_dim3A_399] : memref<4x64x128xf32, #tpu.memory_space<vmem>>[vector<16xi32>, vector<16xi32>, vector<16xi32>], vector<16xf32>,
      %swap3A_570 = arith.constant 2 : i32
      %swap3A_571 = arith.constant 0 : i32
      %swap3A_572 = arith.index_cast %swap3A_570 : i32 to index
      %swap3A_573 = arith.index_cast %swap3A_571 : i32 to index
      %swap3A_574 = arith.constant 80 : index
      %swap3A_575 = tpu.vector_load %arg7[%swap3A_572, %swap3A_573, %swap3A_574] {strides = array<i32>} : memref<4x1x128xf32, #tpu.memory_space<vmem>>, vector<16xf32>,
      tpu.vector_store %arg7[%swap3A_572, %swap3A_573, %swap3A_574], %gather3A_569 {strides = array<i32>} : memref<4x1x128xf32, #tpu.memory_space<vmem>>, vector<16xf32>,
      %iota3A_576 = tpu.iota {dimensions = array<i32: 0>} : vector<16xi32>
      %add3A_577 = arith.constant 32 : i32
      %add3A_578 = vector.broadcast %add3A_577 : i32 to vector<16xi32>
      %add3A_579 = arith.addi %add3A_578, %iota3A_576 : vector<16xi32>
      %gather3A_580 = arith.constant 1 : i32
      %gather3A_581 = arith.constant 0 : i32
      %gather3A_582 = arith.constant 0 : i32
      %gather3A_583 = arith.constant 0 : i32
      %gather3A_584 = tpu.memref_slice %arg6[%gather3A_580, %gather3A_581, %gather3A_582, %gather3A_583] : memref<2x4x64x128xf32, #tpu.memory_space<vmem>> -> memref<1x4x64x128xf32, #tpu.memory_space<vmem>>
      %gather3A_585 = tpu.memref_squeeze %gather3A_584 : memref<1x4x64x128xf32, #tpu.memory_space<vmem>> -> memref<4x64x128xf32, #tpu.memory_space<vmem>>
      %gather3A_586 = tpu.vector_load_idx %gather3A_585[%broadcast_in_dim3A_541, %add3A_579, %broadcast_in_dim3A_399] : memref<4x64x128xf32, #tpu.memory_space<vmem>>[vector<16xi32>, vector<16xi32>, vector<16xi32>], vector<16xf32>,
      %swap3A_587 = arith.constant 2 : i32
      %swap3A_588 = arith.constant 0 : i32
      %swap3A_589 = arith.index_cast %swap3A_587 : i32 to index
      %swap3A_590 = arith.index_cast %swap3A_588 : i32 to index
      %swap3A_591 = arith.constant 96 : index
      %swap3A_592 = tpu.vector_load %arg7[%swap3A_589, %swap3A_590, %swap3A_591] {strides = array<i32>} : memref<4x1x128xf32, #tpu.memory_space<vmem>>, vector<16xf32>,
      tpu.vector_store %arg7[%swap3A_589, %swap3A_590, %swap3A_591], %gather3A_586 {strides = array<i32>} : memref<4x1x128xf32, #tpu.memory_space<vmem>>, vector<16xf32>,
      %iota3A_593 = tpu.iota {dimensions = array<i32: 0>} : vector<16xi32>
      %add3A_594 = arith.constant 48 : i32
      %add3A_595 = vector.broadcast %add3A_594 : i32 to vector<16xi32>
      %add3A_596 = arith.addi %add3A_595, %iota3A_593 : vector<16xi32>
      %gather3A_597 = arith.constant 1 : i32
      %gather3A_598 = arith.constant 0 : i32
      %gather3A_599 = arith.constant 0 : i32
      %gather3A_600 = arith.constant 0 : i32
      %gather3A_601 = tpu.memref_slice %arg6[%gather3A_597, %gather3A_598, %gather3A_599, %gather3A_600] : memref<2x4x64x128xf32, #tpu.memory_space<vmem>> -> memref<1x4x64x128xf32, #tpu.memory_space<vmem>>
      %gather3A_602 = tpu.memref_squeeze %gather3A_601 : memref<1x4x64x128xf32, #tpu.memory_space<vmem>> -> memref<4x64x128xf32, #tpu.memory_space<vmem>>
      %gather3A_603 = tpu.vector_load_idx %gather3A_602[%broadcast_in_dim3A_541, %add3A_596, %broadcast_in_dim3A_399] : memref<4x64x128xf32, #tpu.memory_space<vmem>>[vector<16xi32>, vector<16xi32>, vector<16xi32>], vector<16xf32>,
      %swap3A_604 = arith.constant 2 : i32
      %swap3A_605 = arith.constant 0 : i32
      %swap3A_606 = arith.index_cast %swap3A_604 : i32 to index
      %swap3A_607 = arith.index_cast %swap3A_605 : i32 to index
      %swap3A_608 = arith.constant 112 : index
      %swap3A_609 = tpu.vector_load %arg7[%swap3A_606, %swap3A_607, %swap3A_608] {strides = array<i32>} : memref<4x1x128xf32, #tpu.memory_space<vmem>>, vector<16xf32>,
      tpu.vector_store %arg7[%swap3A_606, %swap3A_607, %swap3A_608], %gather3A_603 {strides = array<i32>} : memref<4x1x128xf32, #tpu.memory_space<vmem>>, vector<16xf32>,
      %broadcast_in_dim3A_610 = arith.constant 3 : i32
      %broadcast_in_dim3A_611 = vector.broadcast %broadcast_in_dim3A_610 : i32 to vector<16xi32>
      %iota3A_612 = tpu.iota {dimensions = array<i32: 0>} : vector<16xi32>
      %add3A_613 = arith.constant 0 : i32
      %add3A_614 = vector.broadcast %add3A_613 : i32 to vector<16xi32>
      %add3A_615 = arith.addi %add3A_614, %iota3A_612 : vector<16xi32>
      %gather3A_616 = arith.constant 1 : i32
      %gather3A_617 = arith.constant 0 : i32
      %gather3A_618 = arith.constant 0 : i32
      %gather3A_619 = arith.constant 0 : i32
      %gather3A_620 = tpu.memref_slice %arg6[%gather3A_616, %gather3A_617, %gather3A_618, %gather3A_619] : memref<2x4x64x128xf32, #tpu.memory_space<vmem>> -> memref<1x4x64x128xf32, #tpu.memory_space<vmem>>
      %gather3A_621 = tpu.memref_squeeze %gather3A_620 : memref<1x4x64x128xf32, #tpu.memory_space<vmem>> -> memref<4x64x128xf32, #tpu.memory_space<vmem>>
      %gather3A_622 = tpu.vector_load_idx %gather3A_621[%broadcast_in_dim3A_611, %add3A_615, %broadcast_in_dim3A_399] : memref<4x64x128xf32, #tpu.memory_space<vmem>>[vector<16xi32>, vector<16xi32>, vector<16xi32>], vector<16xf32>,
      %swap3A_623 = arith.constant 3 : i32
      %swap3A_624 = arith.constant 0 : i32
      %swap3A_625 = arith.index_cast %swap3A_623 : i32 to index
      %swap3A_626 = arith.index_cast %swap3A_624 : i32 to index
      %swap3A_627 = arith.constant 64 : index
      %swap3A_628 = tpu.vector_load %arg7[%swap3A_625, %swap3A_626, %swap3A_627] {strides = array<i32>} : memref<4x1x128xf32, #tpu.memory_space<vmem>>, vector<16xf32>,
      tpu.vector_store %arg7[%swap3A_625, %swap3A_626, %swap3A_627], %gather3A_622 {strides = array<i32>} : memref<4x1x128xf32, #tpu.memory_space<vmem>>, vector<16xf32>,
      %iota3A_629 = tpu.iota {dimensions = array<i32: 0>} : vector<16xi32>
      %add3A_630 = arith.constant 16 : i32
      %add3A_631 = vector.broadcast %add3A_630 : i32 to vector<16xi32>
      %add3A_632 = arith.addi %add3A_631, %iota3A_629 : vector<16xi32>
      %gather3A_633 = arith.constant 1 : i32
      %gather3A_634 = arith.constant 0 : i32
      %gather3A_635 = arith.constant 0 : i32
      %gather3A_636 = arith.constant 0 : i32
      %gather3A_637 = tpu.memref_slice %arg6[%gather3A_633, %gather3A_634, %gather3A_635, %gather3A_636] : memref<2x4x64x128xf32, #tpu.memory_space<vmem>> -> memref<1x4x64x128xf32, #tpu.memory_space<vmem>>
      %gather3A_638 = tpu.memref_squeeze %gather3A_637 : memref<1x4x64x128xf32, #tpu.memory_space<vmem>> -> memref<4x64x128xf32, #tpu.memory_space<vmem>>
      %gather3A_639 = tpu.vector_load_idx %gather3A_638[%broadcast_in_dim3A_611, %add3A_632, %broadcast_in_dim3A_399] : memref<4x64x128xf32, #tpu.memory_space<vmem>>[vector<16xi32>, vector<16xi32>, vector<16xi32>], vector<16xf32>,
      %swap3A_640 = arith.constant 3 : i32
      %swap3A_641 = arith.constant 0 : i32
      %swap3A_642 = arith.index_cast %swap3A_640 : i32 to index
      %swap3A_643 = arith.index_cast %swap3A_641 : i32 to index
      %swap3A_644 = arith.constant 80 : index
      %swap3A_645 = tpu.vector_load %arg7[%swap3A_642, %swap3A_643, %swap3A_644] {strides = array<i32>} : memref<4x1x128xf32, #tpu.memory_space<vmem>>, vector<16xf32>,
      tpu.vector_store %arg7[%swap3A_642, %swap3A_643, %swap3A_644], %gather3A_639 {strides = array<i32>} : memref<4x1x128xf32, #tpu.memory_space<vmem>>, vector<16xf32>,
      %iota3A_646 = tpu.iota {dimensions = array<i32: 0>} : vector<16xi32>
      %add3A_647 = arith.constant 32 : i32
      %add3A_648 = vector.broadcast %add3A_647 : i32 to vector<16xi32>
      %add3A_649 = arith.addi %add3A_648, %iota3A_646 : vector<16xi32>
      %gather3A_650 = arith.constant 1 : i32
      %gather3A_651 = arith.constant 0 : i32
      %gather3A_652 = arith.constant 0 : i32
      %gather3A_653 = arith.constant 0 : i32
      %gather3A_654 = tpu.memref_slice %arg6[%gather3A_650, %gather3A_651, %gather3A_652, %gather3A_653] : memref<2x4x64x128xf32, #tpu.memory_space<vmem>> -> memref<1x4x64x128xf32, #tpu.memory_space<vmem>>
      %gather3A_655 = tpu.memref_squeeze %gather3A_654 : memref<1x4x64x128xf32, #tpu.memory_space<vmem>> -> memref<4x64x128xf32, #tpu.memory_space<vmem>>
      %gather3A_656 = tpu.vector_load_idx %gather3A_655[%broadcast_in_dim3A_611, %add3A_649, %broadcast_in_dim3A_399] : memref<4x64x128xf32, #tpu.memory_space<vmem>>[vector<16xi32>, vector<16xi32>, vector<16xi32>], vector<16xf32>,
      %swap3A_657 = arith.constant 3 : i32
      %swap3A_658 = arith.constant 0 : i32
      %swap3A_659 = arith.index_cast %swap3A_657 : i32 to index
      %swap3A_660 = arith.index_cast %swap3A_658 : i32 to index
      %swap3A_661 = arith.constant 96 : index
      %swap3A_662 = tpu.vector_load %arg7[%swap3A_659, %swap3A_660, %swap3A_661] {strides = array<i32>} : memref<4x1x128xf32, #tpu.memory_space<vmem>>, vector<16xf32>,
      tpu.vector_store %arg7[%swap3A_659, %swap3A_660, %swap3A_661], %gather3A_656 {strides = array<i32>} : memref<4x1x128xf32, #tpu.memory_space<vmem>>, vector<16xf32>,
      %iota3A_663 = tpu.iota {dimensions = array<i32: 0>} : vector<16xi32>
      %add3A_664 = arith.constant 48 : i32
      %add3A_665 = vector.broadcast %add3A_664 : i32 to vector<16xi32>
      %add3A_666 = arith.addi %add3A_665, %iota3A_663 : vector<16xi32>
      %gather3A_667 = arith.constant 1 : i32
      %gather3A_668 = arith.constant 0 : i32
      %gather3A_669 = arith.constant 0 : i32
      %gather3A_670 = arith.constant 0 : i32
      %gather3A_671 = tpu.memref_slice %arg6[%gather3A_667, %gather3A_668, %gather3A_669, %gather3A_670] : memref<2x4x64x128xf32, #tpu.memory_space<vmem>> -> memref<1x4x64x128xf32, #tpu.memory_space<vmem>>
      %gather3A_672 = tpu.memref_squeeze %gather3A_671 : memref<1x4x64x128xf32, #tpu.memory_space<vmem>> -> memref<4x64x128xf32, #tpu.memory_space<vmem>>
      %gather3A_673 = tpu.vector_load_idx %gather3A_672[%broadcast_in_dim3A_611, %add3A_666, %broadcast_in_dim3A_399] : memref<4x64x128xf32, #tpu.memory_space<vmem>>[vector<16xi32>, vector<16xi32>, vector<16xi32>], vector<16xf32>,
      %swap3A_674 = arith.constant 3 : i32
      %swap3A_675 = arith.constant 0 : i32
      %swap3A_676 = arith.index_cast %swap3A_674 : i32 to index
      %swap3A_677 = arith.index_cast %swap3A_675 : i32 to index
      %swap3A_678 = arith.constant 112 : index
      %swap3A_679 = tpu.vector_load %arg7[%swap3A_676, %swap3A_677, %swap3A_678] {strides = array<i32>} : memref<4x1x128xf32, #tpu.memory_space<vmem>>, vector<16xf32>,
      tpu.vector_store %arg7[%swap3A_676, %swap3A_677, %swap3A_678], %gather3A_673 {strides = array<i32>} : memref<4x1x128xf32, #tpu.memory_space<vmem>>, vector<16xf32>,
      "tpu.region"() ({
        %run_scoped3A = tpu.sem_alloc : memref<!tpu.dma_semaphore, #tpu.memory_space<semaphore_mem>>
        %dma_start3A_680 = arith.constant 0 : i32
        %dma_start3A_681 = arith.constant 0 : i32
        %dma_start3A_682 = arith.constant 0 : i32
        %dma_start3A_683 = tpu.memref_slice %arg4[%dma_start3A_680, %dma_start3A_681, %dma_start3A_682] : memref<4x2x128xf32, #tpu.memory_space<hbm>> -> memref<4x1x128xf32, #tpu.memory_space<hbm>>
        %dma_start3A_684 = arith.constant 0 : i32
        %dma_start3A_685 = arith.constant 0 : i32
        %dma_start3A_686 = arith.constant 0 : i32
        %dma_start3A_687 = tpu.memref_slice %arg4[%dma_start3A_684, %dma_start3A_685, %dma_start3A_686] : memref<4x2x128xf32, #tpu.memory_space<hbm>> -> memref<4x1x128xf32, #tpu.memory_space<hbm>>
        tpu.enqueue_dma source(%arg7 : memref<4x1x128xf32, #tpu.memory_space<vmem>>) target(%dma_start3A_687 : memref<4x1x128xf32, #tpu.memory_space<hbm>>) target_semaphore(%run_scoped3A : memref<!tpu.dma_semaphore, #tpu.memory_space<semaphore_mem>>)
        %dma_wait3A_688 = arith.constant 0 : i32
        %dma_wait3A_689 = arith.constant 0 : i32
        %dma_wait3A_690 = arith.constant 0 : i32
        %dma_wait3A_691 = tpu.memref_slice %arg4[%dma_wait3A_688, %dma_wait3A_689, %dma_wait3A_690] : memref<4x2x128xf32, #tpu.memory_space<hbm>> -> memref<4x1x128xf32, #tpu.memory_space<hbm>>
        %dma_wait3A_692 = arith.constant 0 : i32
        %dma_wait3A_693 = arith.constant 0 : i32
        %dma_wait3A_694 = arith.constant 0 : i32
        %dma_wait3A_695 = tpu.memref_slice %arg4[%dma_wait3A_692, %dma_wait3A_693, %dma_wait3A_694] : memref<4x2x128xf32, #tpu.memory_space<hbm>> -> memref<4x1x128xf32, #tpu.memory_space<hbm>>
        tpu.wait_dma2 semaphore(%run_scoped3A : memref<!tpu.dma_semaphore, #tpu.memory_space<semaphore_mem>>) src(%arg7 : memref<4x1x128xf32, #tpu.memory_space<vmem>>) dst(%dma_wait3A_695 : memref<4x1x128xf32, #tpu.memory_space<hbm>>)
        tpu.yield
      }) : () -> ()
    } else {
    }
    %eq3A_2 = arith.constant 1 : i32
    %eq3A_3 = arith.cmpi eq, %arg1, %eq3A_2 : i32
    %convert_element_type3A_4 = arith.extui %eq3A_3 : i1 to i32
    %cond3A_5 = arith.constant 0 : i32
    %cond3A_6 = arith.cmpi ne, %convert_element_type3A_4, %cond3A_5 : i32
    scf.if %cond3A_6 {
      "tpu.region"() ({
        %run_scoped3A = tpu.sem_alloc : memref<!tpu.dma_semaphore, #tpu.memory_space<semaphore_mem>>
        %dma_start3A_680 = arith.constant 0 : i32
        %dma_start3A_681 = tpu.memref_slice %arg5[%dma_start3A_680] : memref<16xi32, #tpu.memory_space<vmem>> -> memref<2xi32, #tpu.memory_space<vmem>>
        %dma_start3A_682 = arith.constant 0 : i32
        %dma_start3A_683 = tpu.memref_slice %arg5[%dma_start3A_682] : memref<16xi32, #tpu.memory_space<vmem>> -> memref<2xi32, #tpu.memory_space<vmem>>
        tpu.enqueue_dma source(%arg2 : memref<2xi32, #tpu.memory_space<hbm>>) target(%dma_start3A_683 : memref<2xi32, #tpu.memory_space<vmem>>) target_semaphore(%run_scoped3A : memref<!tpu.dma_semaphore, #tpu.memory_space<semaphore_mem>>)
        %dma_wait3A_684 = arith.constant 0 : i32
        %dma_wait3A_685 = tpu.memref_slice %arg5[%dma_wait3A_684] : memref<16xi32, #tpu.memory_space<vmem>> -> memref<2xi32, #tpu.memory_space<vmem>>
        %dma_wait3A_686 = arith.constant 0 : i32
        %dma_wait3A_687 = tpu.memref_slice %arg5[%dma_wait3A_686] : memref<16xi32, #tpu.memory_space<vmem>> -> memref<2xi32, #tpu.memory_space<vmem>>
        tpu.wait_dma2 semaphore(%run_scoped3A : memref<!tpu.dma_semaphore, #tpu.memory_space<semaphore_mem>>) src(%arg2 : memref<2xi32, #tpu.memory_space<hbm>>) dst(%dma_wait3A_687 : memref<2xi32, #tpu.memory_space<vmem>>)
        tpu.yield
      }) : () -> ()
      %get3A = arith.constant 0 : index
      %get3A_7 = tpu.vector_load %arg5[%get3A] {strides = array<i32>} : memref<16xi32, #tpu.memory_space<vmem>>, vector<16xi32>,
      %slice3A = vector.extract_strided_slice %get3A_7 {offsets = [1], sizes = [1], strides = [1]} : vector<16xi32> to vector<1xi32>
      %squeeze3A = vector.extract %slice3A[0] : i32 from vector<1xi32>
      %add3A = arith.constant 0 : i32
      %add3A_8 = arith.addi %squeeze3A, %add3A : i32
      %jit3A = arith.constant 128 : i32
      %div3A = arith.divsi %add3A_8, %jit3A : i32
      %sign3A = arith.constant 0 : i32
      %sign3A_9 = arith.cmpi sgt, %add3A_8, %sign3A : i32
      %sign3A_10 = arith.extui %sign3A_9 : i1 to i32
      %sign3A_11 = arith.constant 0 : i32
      %sign3A_12 = arith.cmpi slt, %add3A_8, %sign3A_11 : i32
      %sign3A_13 = arith.extui %sign3A_12 : i1 to i32
      %sign3A_14 = arith.subi %sign3A_10, %sign3A_13 : i32
      %sign3A_15 = arith.constant 0 : i32
      %sign3A_16 = arith.cmpi sgt, %jit3A, %sign3A_15 : i32
      %sign3A_17 = arith.extui %sign3A_16 : i1 to i32
      %sign3A_18 = arith.constant 0 : i32
      %sign3A_19 = arith.cmpi slt, %jit3A, %sign3A_18 : i32
      %sign3A_20 = arith.extui %sign3A_19 : i1 to i32
      %sign3A_21 = arith.subi %sign3A_17, %sign3A_20 : i32
      %ne3A = arith.cmpi ne, %sign3A_14, %sign3A_21 : i32
      %rem3A = arith.remsi %add3A_8, %jit3A : i32
      %ne3A_22 = arith.constant 0 : i32
      %ne3A_23 = arith.cmpi ne, %rem3A, %ne3A_22 : i32
      %and3A = arith.andi %ne3A, %ne3A_23 : i1
      %sub3A = arith.constant 1 : i32
      %sub3A_24 = arith.subi %div3A, %sub3A : i32
      %select_n3A = arith.select %and3A, %sub3A_24, %div3A : i32
      %mul3A = arith.constant 128 : i32
      %mul3A_25 = arith.muli %select_n3A, %mul3A : i32
      %dma_start3A = arith.constant 0 : i32
      %dma_start3A_26 = arith.constant 0 : i32
      %dma_start3A_27 = arith.constant 0 : i32
      %dma_start3A_28 = arith.constant 0 : i32
      %dma_start3A_29 = tpu.memref_slice %arg6[%dma_start3A, %dma_start3A_26, %dma_start3A_27, %dma_start3A_28] : memref<2x4x64x128xf32, #tpu.memory_space<vmem>> -> memref<1x4x64x128xf32, #tpu.memory_space<vmem>>
      %dma_start3A_30 = tpu.memref_squeeze %dma_start3A_29 : memref<1x4x64x128xf32, #tpu.memory_space<vmem>> -> memref<4x64x128xf32, #tpu.memory_space<vmem>>
      %dma_start3A_31 = arith.constant 0 : i32
      %dma_start3A_32 = arith.constant 0 : i32
      %dma_start3A_33 = tpu.memref_slice %arg3[%dma_start3A_31, %dma_start3A_32, %mul3A_25] : memref<4x64x100000xf32, #tpu.memory_space<hbm>> -> memref<4x64x128xf32, #tpu.memory_space<hbm>>
      %dma_start3A_34 = arith.constant 0 : i32
      %dma_start3A_35 = arith.constant 0 : i32
      %dma_start3A_36 = arith.constant 0 : i32
      %dma_start3A_37 = tpu.memref_slice %arg6[%dma_start3A, %dma_start3A_34, %dma_start3A_35, %dma_start3A_36] : memref<2x4x64x128xf32, #tpu.memory_space<vmem>> -> memref<1x4x64x128xf32, #tpu.memory_space<vmem>>
      %dma_start3A_38 = tpu.memref_squeeze %dma_start3A_37 : memref<1x4x64x128xf32, #tpu.memory_space<vmem>> -> memref<4x64x128xf32, #tpu.memory_space<vmem>>
      %dma_start3A_39 = arith.constant 0 : i32
      %dma_start3A_40 = arith.constant 0 : i32
      %dma_start3A_41 = tpu.memref_slice %arg3[%dma_start3A_39, %dma_start3A_40, %mul3A_25] : memref<4x64x100000xf32, #tpu.memory_space<hbm>> -> memref<4x64x128xf32, #tpu.memory_space<hbm>>
      tpu.enqueue_dma source(%dma_start3A_41 : memref<4x64x128xf32, #tpu.memory_space<hbm>>) target(%dma_start3A_38 : memref<4x64x128xf32, #tpu.memory_space<vmem>>) target_semaphore(%arg8 : memref<!tpu.dma_semaphore, #tpu.memory_space<semaphore_mem>>)
      %sub3A_42 = arith.subi %add3A_8, %mul3A_25 : i32
      %add3A_43 = arith.constant 50000 : i32
      %add3A_44 = arith.addi %squeeze3A, %add3A_43 : i32
      %jit3A_45 = arith.constant 128 : i32
      %div3A_46 = arith.divsi %add3A_44, %jit3A_45 : i32
      %sign3A_47 = arith.constant 0 : i32
      %sign3A_48 = arith.cmpi sgt, %add3A_44, %sign3A_47 : i32
      %sign3A_49 = arith.extui %sign3A_48 : i1 to i32
      %sign3A_50 = arith.constant 0 : i32
      %sign3A_51 = arith.cmpi slt, %add3A_44, %sign3A_50 : i32
      %sign3A_52 = arith.extui %sign3A_51 : i1 to i32
      %sign3A_53 = arith.subi %sign3A_49, %sign3A_52 : i32
      %sign3A_54 = arith.constant 0 : i32
      %sign3A_55 = arith.cmpi sgt, %jit3A_45, %sign3A_54 : i32
      %sign3A_56 = arith.extui %sign3A_55 : i1 to i32
      %sign3A_57 = arith.constant 0 : i32
      %sign3A_58 = arith.cmpi slt, %jit3A_45, %sign3A_57 : i32
      %sign3A_59 = arith.extui %sign3A_58 : i1 to i32
      %sign3A_60 = arith.subi %sign3A_56, %sign3A_59 : i32
      %ne3A_61 = arith.cmpi ne, %sign3A_53, %sign3A_60 : i32
      %rem3A_62 = arith.remsi %add3A_44, %jit3A_45 : i32
      %ne3A_63 = arith.constant 0 : i32
      %ne3A_64 = arith.cmpi ne, %rem3A_62, %ne3A_63 : i32
      %and3A_65 = arith.andi %ne3A_61, %ne3A_64 : i1
      %sub3A_66 = arith.constant 1 : i32
      %sub3A_67 = arith.subi %div3A_46, %sub3A_66 : i32
      %select_n3A_68 = arith.select %and3A_65, %sub3A_67, %div3A_46 : i32
      %mul3A_69 = arith.constant 128 : i32
      %mul3A_70 = arith.muli %select_n3A_68, %mul3A_69 : i32
      %dma_start3A_71 = arith.constant 1 : i32
      %dma_start3A_72 = arith.constant 0 : i32
      %dma_start3A_73 = arith.constant 0 : i32
      %dma_start3A_74 = arith.constant 0 : i32
      %dma_start3A_75 = tpu.memref_slice %arg6[%dma_start3A_71, %dma_start3A_72, %dma_start3A_73, %dma_start3A_74] : memref<2x4x64x128xf32, #tpu.memory_space<vmem>> -> memref<1x4x64x128xf32, #tpu.memory_space<vmem>>
      %dma_start3A_76 = tpu.memref_squeeze %dma_start3A_75 : memref<1x4x64x128xf32, #tpu.memory_space<vmem>> -> memref<4x64x128xf32, #tpu.memory_space<vmem>>
      %dma_start3A_77 = arith.constant 0 : i32
      %dma_start3A_78 = arith.constant 0 : i32
      %dma_start3A_79 = tpu.memref_slice %arg3[%dma_start3A_77, %dma_start3A_78, %mul3A_70] : memref<4x64x100000xf32, #tpu.memory_space<hbm>> -> memref<4x64x128xf32, #tpu.memory_space<hbm>>
      %dma_start3A_80 = arith.constant 0 : i32
      %dma_start3A_81 = arith.constant 0 : i32
      %dma_start3A_82 = arith.constant 0 : i32
      %dma_start3A_83 = tpu.memref_slice %arg6[%dma_start3A_71, %dma_start3A_80, %dma_start3A_81, %dma_start3A_82] : memref<2x4x64x128xf32, #tpu.memory_space<vmem>> -> memref<1x4x64x128xf32, #tpu.memory_space<vmem>>
      %dma_start3A_84 = tpu.memref_squeeze %dma_start3A_83 : memref<1x4x64x128xf32, #tpu.memory_space<vmem>> -> memref<4x64x128xf32, #tpu.memory_space<vmem>>
      %dma_start3A_85 = arith.constant 0 : i32
      %dma_start3A_86 = arith.constant 0 : i32
      %dma_start3A_87 = tpu.memref_slice %arg3[%dma_start3A_85, %dma_start3A_86, %mul3A_70] : memref<4x64x100000xf32, #tpu.memory_space<hbm>> -> memref<4x64x128xf32, #tpu.memory_space<hbm>>
      tpu.enqueue_dma source(%dma_start3A_87 : memref<4x64x128xf32, #tpu.memory_space<hbm>>) target(%dma_start3A_84 : memref<4x64x128xf32, #tpu.memory_space<vmem>>) target_semaphore(%arg8 : memref<!tpu.dma_semaphore, #tpu.memory_space<semaphore_mem>>)
      %sub3A_88 = arith.subi %add3A_44, %mul3A_70 : i32
      %dma_wait3A = arith.constant 0 : i32
      %dma_wait3A_89 = arith.constant 0 : i32
      %dma_wait3A_90 = arith.constant 0 : i32
      %dma_wait3A_91 = arith.constant 0 : i32
      %dma_wait3A_92 = tpu.memref_slice %arg6[%dma_wait3A, %dma_wait3A_89, %dma_wait3A_90, %dma_wait3A_91] : memref<2x4x64x128xf32, #tpu.memory_space<vmem>> -> memref<1x4x64x128xf32, #tpu.memory_space<vmem>>
      %dma_wait3A_93 = tpu.memref_squeeze %dma_wait3A_92 : memref<1x4x64x128xf32, #tpu.memory_space<vmem>> -> memref<4x64x128xf32, #tpu.memory_space<vmem>>
      %dma_wait3A_94 = arith.constant 0 : i32
      %dma_wait3A_95 = arith.constant 0 : i32
      %dma_wait3A_96 = tpu.memref_slice %arg3[%dma_wait3A_94, %dma_wait3A_95, %mul3A_25] : memref<4x64x100000xf32, #tpu.memory_space<hbm>> -> memref<4x64x128xf32, #tpu.memory_space<hbm>>
      %dma_wait3A_97 = arith.constant 0 : i32
      %dma_wait3A_98 = arith.constant 0 : i32
      %dma_wait3A_99 = arith.constant 0 : i32
      %dma_wait3A_100 = tpu.memref_slice %arg6[%dma_wait3A, %dma_wait3A_97, %dma_wait3A_98, %dma_wait3A_99] : memref<2x4x64x128xf32, #tpu.memory_space<vmem>> -> memref<1x4x64x128xf32, #tpu.memory_space<vmem>>
      %dma_wait3A_101 = tpu.memref_squeeze %dma_wait3A_100 : memref<1x4x64x128xf32, #tpu.memory_space<vmem>> -> memref<4x64x128xf32, #tpu.memory_space<vmem>>
      %dma_wait3A_102 = arith.constant 0 : i32
      %dma_wait3A_103 = arith.constant 0 : i32
      %dma_wait3A_104 = tpu.memref_slice %arg3[%dma_wait3A_102, %dma_wait3A_103, %mul3A_25] : memref<4x64x100000xf32, #tpu.memory_space<hbm>> -> memref<4x64x128xf32, #tpu.memory_space<hbm>>
      tpu.wait_dma2 semaphore(%arg8 : memref<!tpu.dma_semaphore, #tpu.memory_space<semaphore_mem>>) src(%dma_wait3A_104 : memref<4x64x128xf32, #tpu.memory_space<hbm>>) dst(%dma_wait3A_101 : memref<4x64x128xf32, #tpu.memory_space<vmem>>)
      %broadcast_in_dim3A = vector.broadcast %sub3A_42 : i32 to vector<16xi32>
      %broadcast_in_dim3A_105 = arith.constant 0 : i32
      %broadcast_in_dim3A_106 = vector.broadcast %broadcast_in_dim3A_105 : i32 to vector<16xi32>
      %iota3A = tpu.iota {dimensions = array<i32: 0>} : vector<16xi32>
      %add3A_107 = arith.constant 0 : i32
      %add3A_108 = vector.broadcast %add3A_107 : i32 to vector<16xi32>
      %add3A_109 = arith.addi %add3A_108, %iota3A : vector<16xi32>
      %gather3A = arith.constant 0 : i32
      %gather3A_110 = arith.constant 0 : i32
      %gather3A_111 = arith.constant 0 : i32
      %gather3A_112 = arith.constant 0 : i32
      %gather3A_113 = tpu.memref_slice %arg6[%gather3A, %gather3A_110, %gather3A_111, %gather3A_112] : memref<2x4x64x128xf32, #tpu.memory_space<vmem>> -> memref<1x4x64x128xf32, #tpu.memory_space<vmem>>
      %gather3A_114 = tpu.memref_squeeze %gather3A_113 : memref<1x4x64x128xf32, #tpu.memory_space<vmem>> -> memref<4x64x128xf32, #tpu.memory_space<vmem>>
      %gather3A_115 = tpu.vector_load_idx %gather3A_114[%broadcast_in_dim3A_106, %add3A_109, %broadcast_in_dim3A] : memref<4x64x128xf32, #tpu.memory_space<vmem>>[vector<16xi32>, vector<16xi32>, vector<16xi32>], vector<16xf32>,
      %swap3A = arith.constant 0 : i32
      %swap3A_116 = arith.constant 0 : i32
      %swap3A_117 = arith.index_cast %swap3A : i32 to index
      %swap3A_118 = arith.index_cast %swap3A_116 : i32 to index
      %swap3A_119 = arith.constant 0 : index
      %swap3A_120 = tpu.vector_load %arg7[%swap3A_117, %swap3A_118, %swap3A_119] {strides = array<i32>} : memref<4x1x128xf32, #tpu.memory_space<vmem>>, vector<16xf32>,
      tpu.vector_store %arg7[%swap3A_117, %swap3A_118, %swap3A_119], %gather3A_115 {strides = array<i32>} : memref<4x1x128xf32, #tpu.memory_space<vmem>>, vector<16xf32>,
      %iota3A_121 = tpu.iota {dimensions = array<i32: 0>} : vector<16xi32>
      %add3A_122 = arith.constant 16 : i32
      %add3A_123 = vector.broadcast %add3A_122 : i32 to vector<16xi32>
      %add3A_124 = arith.addi %add3A_123, %iota3A_121 : vector<16xi32>
      %gather3A_125 = arith.constant 0 : i32
      %gather3A_126 = arith.constant 0 : i32
      %gather3A_127 = arith.constant 0 : i32
      %gather3A_128 = arith.constant 0 : i32
      %gather3A_129 = tpu.memref_slice %arg6[%gather3A_125, %gather3A_126, %gather3A_127, %gather3A_128] : memref<2x4x64x128xf32, #tpu.memory_space<vmem>> -> memref<1x4x64x128xf32, #tpu.memory_space<vmem>>
      %gather3A_130 = tpu.memref_squeeze %gather3A_129 : memref<1x4x64x128xf32, #tpu.memory_space<vmem>> -> memref<4x64x128xf32, #tpu.memory_space<vmem>>
      %gather3A_131 = tpu.vector_load_idx %gather3A_130[%broadcast_in_dim3A_106, %add3A_124, %broadcast_in_dim3A] : memref<4x64x128xf32, #tpu.memory_space<vmem>>[vector<16xi32>, vector<16xi32>, vector<16xi32>], vector<16xf32>,
      %swap3A_132 = arith.constant 0 : i32
      %swap3A_133 = arith.constant 0 : i32
      %swap3A_134 = arith.index_cast %swap3A_132 : i32 to index
      %swap3A_135 = arith.index_cast %swap3A_133 : i32 to index
      %swap3A_136 = arith.constant 16 : index
      %swap3A_137 = tpu.vector_load %arg7[%swap3A_134, %swap3A_135, %swap3A_136] {strides = array<i32>} : memref<4x1x128xf32, #tpu.memory_space<vmem>>, vector<16xf32>,
      tpu.vector_store %arg7[%swap3A_134, %swap3A_135, %swap3A_136], %gather3A_131 {strides = array<i32>} : memref<4x1x128xf32, #tpu.memory_space<vmem>>, vector<16xf32>,
      %iota3A_138 = tpu.iota {dimensions = array<i32: 0>} : vector<16xi32>
      %add3A_139 = arith.constant 32 : i32
      %add3A_140 = vector.broadcast %add3A_139 : i32 to vector<16xi32>
      %add3A_141 = arith.addi %add3A_140, %iota3A_138 : vector<16xi32>
      %gather3A_142 = arith.constant 0 : i32
      %gather3A_143 = arith.constant 0 : i32
      %gather3A_144 = arith.constant 0 : i32
      %gather3A_145 = arith.constant 0 : i32
      %gather3A_146 = tpu.memref_slice %arg6[%gather3A_142, %gather3A_143, %gather3A_144, %gather3A_145] : memref<2x4x64x128xf32, #tpu.memory_space<vmem>> -> memref<1x4x64x128xf32, #tpu.memory_space<vmem>>
      %gather3A_147 = tpu.memref_squeeze %gather3A_146 : memref<1x4x64x128xf32, #tpu.memory_space<vmem>> -> memref<4x64x128xf32, #tpu.memory_space<vmem>>
      %gather3A_148 = tpu.vector_load_idx %gather3A_147[%broadcast_in_dim3A_106, %add3A_141, %broadcast_in_dim3A] : memref<4x64x128xf32, #tpu.memory_space<vmem>>[vector<16xi32>, vector<16xi32>, vector<16xi32>], vector<16xf32>,
      %swap3A_149 = arith.constant 0 : i32
      %swap3A_150 = arith.constant 0 : i32
      %swap3A_151 = arith.index_cast %swap3A_149 : i32 to index
      %swap3A_152 = arith.index_cast %swap3A_150 : i32 to index
      %swap3A_153 = arith.constant 32 : index
      %swap3A_154 = tpu.vector_load %arg7[%swap3A_151, %swap3A_152, %swap3A_153] {strides = array<i32>} : memref<4x1x128xf32, #tpu.memory_space<vmem>>, vector<16xf32>,
      tpu.vector_store %arg7[%swap3A_151, %swap3A_152, %swap3A_153], %gather3A_148 {strides = array<i32>} : memref<4x1x128xf32, #tpu.memory_space<vmem>>, vector<16xf32>,
      %iota3A_155 = tpu.iota {dimensions = array<i32: 0>} : vector<16xi32>
      %add3A_156 = arith.constant 48 : i32
      %add3A_157 = vector.broadcast %add3A_156 : i32 to vector<16xi32>
      %add3A_158 = arith.addi %add3A_157, %iota3A_155 : vector<16xi32>
      %gather3A_159 = arith.constant 0 : i32
      %gather3A_160 = arith.constant 0 : i32
      %gather3A_161 = arith.constant 0 : i32
      %gather3A_162 = arith.constant 0 : i32
      %gather3A_163 = tpu.memref_slice %arg6[%gather3A_159, %gather3A_160, %gather3A_161, %gather3A_162] : memref<2x4x64x128xf32, #tpu.memory_space<vmem>> -> memref<1x4x64x128xf32, #tpu.memory_space<vmem>>
      %gather3A_164 = tpu.memref_squeeze %gather3A_163 : memref<1x4x64x128xf32, #tpu.memory_space<vmem>> -> memref<4x64x128xf32, #tpu.memory_space<vmem>>
      %gather3A_165 = tpu.vector_load_idx %gather3A_164[%broadcast_in_dim3A_106, %add3A_158, %broadcast_in_dim3A] : memref<4x64x128xf32, #tpu.memory_space<vmem>>[vector<16xi32>, vector<16xi32>, vector<16xi32>], vector<16xf32>,
      %swap3A_166 = arith.constant 0 : i32
      %swap3A_167 = arith.constant 0 : i32
      %swap3A_168 = arith.index_cast %swap3A_166 : i32 to index
      %swap3A_169 = arith.index_cast %swap3A_167 : i32 to index
      %swap3A_170 = arith.constant 48 : index
      %swap3A_171 = tpu.vector_load %arg7[%swap3A_168, %swap3A_169, %swap3A_170] {strides = array<i32>} : memref<4x1x128xf32, #tpu.memory_space<vmem>>, vector<16xf32>,
      tpu.vector_store %arg7[%swap3A_168, %swap3A_169, %swap3A_170], %gather3A_165 {strides = array<i32>} : memref<4x1x128xf32, #tpu.memory_space<vmem>>, vector<16xf32>,
      %broadcast_in_dim3A_172 = arith.constant 1 : i32
      %broadcast_in_dim3A_173 = vector.broadcast %broadcast_in_dim3A_172 : i32 to vector<16xi32>
      %iota3A_174 = tpu.iota {dimensions = array<i32: 0>} : vector<16xi32>
      %add3A_175 = arith.constant 0 : i32
      %add3A_176 = vector.broadcast %add3A_175 : i32 to vector<16xi32>
      %add3A_177 = arith.addi %add3A_176, %iota3A_174 : vector<16xi32>
      %gather3A_178 = arith.constant 0 : i32
      %gather3A_179 = arith.constant 0 : i32
      %gather3A_180 = arith.constant 0 : i32
      %gather3A_181 = arith.constant 0 : i32
      %gather3A_182 = tpu.memref_slice %arg6[%gather3A_178, %gather3A_179, %gather3A_180, %gather3A_181] : memref<2x4x64x128xf32, #tpu.memory_space<vmem>> -> memref<1x4x64x128xf32, #tpu.memory_space<vmem>>
      %gather3A_183 = tpu.memref_squeeze %gather3A_182 : memref<1x4x64x128xf32, #tpu.memory_space<vmem>> -> memref<4x64x128xf32, #tpu.memory_space<vmem>>
      %gather3A_184 = tpu.vector_load_idx %gather3A_183[%broadcast_in_dim3A_173, %add3A_177, %broadcast_in_dim3A] : memref<4x64x128xf32, #tpu.memory_space<vmem>>[vector<16xi32>, vector<16xi32>, vector<16xi32>], vector<16xf32>,
      %swap3A_185 = arith.constant 1 : i32
      %swap3A_186 = arith.constant 0 : i32
      %swap3A_187 = arith.index_cast %swap3A_185 : i32 to index
      %swap3A_188 = arith.index_cast %swap3A_186 : i32 to index
      %swap3A_189 = arith.constant 0 : index
      %swap3A_190 = tpu.vector_load %arg7[%swap3A_187, %swap3A_188, %swap3A_189] {strides = array<i32>} : memref<4x1x128xf32, #tpu.memory_space<vmem>>, vector<16xf32>,
      tpu.vector_store %arg7[%swap3A_187, %swap3A_188, %swap3A_189], %gather3A_184 {strides = array<i32>} : memref<4x1x128xf32, #tpu.memory_space<vmem>>, vector<16xf32>,
      %iota3A_191 = tpu.iota {dimensions = array<i32: 0>} : vector<16xi32>
      %add3A_192 = arith.constant 16 : i32
      %add3A_193 = vector.broadcast %add3A_192 : i32 to vector<16xi32>
      %add3A_194 = arith.addi %add3A_193, %iota3A_191 : vector<16xi32>
      %gather3A_195 = arith.constant 0 : i32
      %gather3A_196 = arith.constant 0 : i32
      %gather3A_197 = arith.constant 0 : i32
      %gather3A_198 = arith.constant 0 : i32
      %gather3A_199 = tpu.memref_slice %arg6[%gather3A_195, %gather3A_196, %gather3A_197, %gather3A_198] : memref<2x4x64x128xf32, #tpu.memory_space<vmem>> -> memref<1x4x64x128xf32, #tpu.memory_space<vmem>>
      %gather3A_200 = tpu.memref_squeeze %gather3A_199 : memref<1x4x64x128xf32, #tpu.memory_space<vmem>> -> memref<4x64x128xf32, #tpu.memory_space<vmem>>
      %gather3A_201 = tpu.vector_load_idx %gather3A_200[%broadcast_in_dim3A_173, %add3A_194, %broadcast_in_dim3A] : memref<4x64x128xf32, #tpu.memory_space<vmem>>[vector<16xi32>, vector<16xi32>, vector<16xi32>], vector<16xf32>,
      %swap3A_202 = arith.constant 1 : i32
      %swap3A_203 = arith.constant 0 : i32
      %swap3A_204 = arith.index_cast %swap3A_202 : i32 to index
      %swap3A_205 = arith.index_cast %swap3A_203 : i32 to index
      %swap3A_206 = arith.constant 16 : index
      %swap3A_207 = tpu.vector_load %arg7[%swap3A_204, %swap3A_205, %swap3A_206] {strides = array<i32>} : memref<4x1x128xf32, #tpu.memory_space<vmem>>, vector<16xf32>,
      tpu.vector_store %arg7[%swap3A_204, %swap3A_205, %swap3A_206], %gather3A_201 {strides = array<i32>} : memref<4x1x128xf32, #tpu.memory_space<vmem>>, vector<16xf32>,
      %iota3A_208 = tpu.iota {dimensions = array<i32: 0>} : vector<16xi32>
      %add3A_209 = arith.constant 32 : i32
      %add3A_210 = vector.broadcast %add3A_209 : i32 to vector<16xi32>
      %add3A_211 = arith.addi %add3A_210, %iota3A_208 : vector<16xi32>
      %gather3A_212 = arith.constant 0 : i32
      %gather3A_213 = arith.constant 0 : i32
      %gather3A_214 = arith.constant 0 : i32
      %gather3A_215 = arith.constant 0 : i32
      %gather3A_216 = tpu.memref_slice %arg6[%gather3A_212, %gather3A_213, %gather3A_214, %gather3A_215] : memref<2x4x64x128xf32, #tpu.memory_space<vmem>> -> memref<1x4x64x128xf32, #tpu.memory_space<vmem>>
      %gather3A_217 = tpu.memref_squeeze %gather3A_216 : memref<1x4x64x128xf32, #tpu.memory_space<vmem>> -> memref<4x64x128xf32, #tpu.memory_space<vmem>>
      %gather3A_218 = tpu.vector_load_idx %gather3A_217[%broadcast_in_dim3A_173, %add3A_211, %broadcast_in_dim3A] : memref<4x64x128xf32, #tpu.memory_space<vmem>>[vector<16xi32>, vector<16xi32>, vector<16xi32>], vector<16xf32>,
      %swap3A_219 = arith.constant 1 : i32
      %swap3A_220 = arith.constant 0 : i32
      %swap3A_221 = arith.index_cast %swap3A_219 : i32 to index
      %swap3A_222 = arith.index_cast %swap3A_220 : i32 to index
      %swap3A_223 = arith.constant 32 : index
      %swap3A_224 = tpu.vector_load %arg7[%swap3A_221, %swap3A_222, %swap3A_223] {strides = array<i32>} : memref<4x1x128xf32, #tpu.memory_space<vmem>>, vector<16xf32>,
      tpu.vector_store %arg7[%swap3A_221, %swap3A_222, %swap3A_223], %gather3A_218 {strides = array<i32>} : memref<4x1x128xf32, #tpu.memory_space<vmem>>, vector<16xf32>,
      %iota3A_225 = tpu.iota {dimensions = array<i32: 0>} : vector<16xi32>
      %add3A_226 = arith.constant 48 : i32
      %add3A_227 = vector.broadcast %add3A_226 : i32 to vector<16xi32>
      %add3A_228 = arith.addi %add3A_227, %iota3A_225 : vector<16xi32>
      %gather3A_229 = arith.constant 0 : i32
      %gather3A_230 = arith.constant 0 : i32
      %gather3A_231 = arith.constant 0 : i32
      %gather3A_232 = arith.constant 0 : i32
      %gather3A_233 = tpu.memref_slice %arg6[%gather3A_229, %gather3A_230, %gather3A_231, %gather3A_232] : memref<2x4x64x128xf32, #tpu.memory_space<vmem>> -> memref<1x4x64x128xf32, #tpu.memory_space<vmem>>
      %gather3A_234 = tpu.memref_squeeze %gather3A_233 : memref<1x4x64x128xf32, #tpu.memory_space<vmem>> -> memref<4x64x128xf32, #tpu.memory_space<vmem>>
      %gather3A_235 = tpu.vector_load_idx %gather3A_234[%broadcast_in_dim3A_173, %add3A_228, %broadcast_in_dim3A] : memref<4x64x128xf32, #tpu.memory_space<vmem>>[vector<16xi32>, vector<16xi32>, vector<16xi32>], vector<16xf32>,
      %swap3A_236 = arith.constant 1 : i32
      %swap3A_237 = arith.constant 0 : i32
      %swap3A_238 = arith.index_cast %swap3A_236 : i32 to index
      %swap3A_239 = arith.index_cast %swap3A_237 : i32 to index
      %swap3A_240 = arith.constant 48 : index
      %swap3A_241 = tpu.vector_load %arg7[%swap3A_238, %swap3A_239, %swap3A_240] {strides = array<i32>} : memref<4x1x128xf32, #tpu.memory_space<vmem>>, vector<16xf32>,
      tpu.vector_store %arg7[%swap3A_238, %swap3A_239, %swap3A_240], %gather3A_235 {strides = array<i32>} : memref<4x1x128xf32, #tpu.memory_space<vmem>>, vector<16xf32>,
      %broadcast_in_dim3A_242 = arith.constant 2 : i32
      %broadcast_in_dim3A_243 = vector.broadcast %broadcast_in_dim3A_242 : i32 to vector<16xi32>
      %iota3A_244 = tpu.iota {dimensions = array<i32: 0>} : vector<16xi32>
      %add3A_245 = arith.constant 0 : i32
      %add3A_246 = vector.broadcast %add3A_245 : i32 to vector<16xi32>
      %add3A_247 = arith.addi %add3A_246, %iota3A_244 : vector<16xi32>
      %gather3A_248 = arith.constant 0 : i32
      %gather3A_249 = arith.constant 0 : i32
      %gather3A_250 = arith.constant 0 : i32
      %gather3A_251 = arith.constant 0 : i32
      %gather3A_252 = tpu.memref_slice %arg6[%gather3A_248, %gather3A_249, %gather3A_250, %gather3A_251] : memref<2x4x64x128xf32, #tpu.memory_space<vmem>> -> memref<1x4x64x128xf32, #tpu.memory_space<vmem>>
      %gather3A_253 = tpu.memref_squeeze %gather3A_252 : memref<1x4x64x128xf32, #tpu.memory_space<vmem>> -> memref<4x64x128xf32, #tpu.memory_space<vmem>>
      %gather3A_254 = tpu.vector_load_idx %gather3A_253[%broadcast_in_dim3A_243, %add3A_247, %broadcast_in_dim3A] : memref<4x64x128xf32, #tpu.memory_space<vmem>>[vector<16xi32>, vector<16xi32>, vector<16xi32>], vector<16xf32>,
      %swap3A_255 = arith.constant 2 : i32
      %swap3A_256 = arith.constant 0 : i32
      %swap3A_257 = arith.index_cast %swap3A_255 : i32 to index
      %swap3A_258 = arith.index_cast %swap3A_256 : i32 to index
      %swap3A_259 = arith.constant 0 : index
      %swap3A_260 = tpu.vector_load %arg7[%swap3A_257, %swap3A_258, %swap3A_259] {strides = array<i32>} : memref<4x1x128xf32, #tpu.memory_space<vmem>>, vector<16xf32>,
      tpu.vector_store %arg7[%swap3A_257, %swap3A_258, %swap3A_259], %gather3A_254 {strides = array<i32>} : memref<4x1x128xf32, #tpu.memory_space<vmem>>, vector<16xf32>,
      %iota3A_261 = tpu.iota {dimensions = array<i32: 0>} : vector<16xi32>
      %add3A_262 = arith.constant 16 : i32
      %add3A_263 = vector.broadcast %add3A_262 : i32 to vector<16xi32>
      %add3A_264 = arith.addi %add3A_263, %iota3A_261 : vector<16xi32>
      %gather3A_265 = arith.constant 0 : i32
      %gather3A_266 = arith.constant 0 : i32
      %gather3A_267 = arith.constant 0 : i32
      %gather3A_268 = arith.constant 0 : i32
      %gather3A_269 = tpu.memref_slice %arg6[%gather3A_265, %gather3A_266, %gather3A_267, %gather3A_268] : memref<2x4x64x128xf32, #tpu.memory_space<vmem>> -> memref<1x4x64x128xf32, #tpu.memory_space<vmem>>
      %gather3A_270 = tpu.memref_squeeze %gather3A_269 : memref<1x4x64x128xf32, #tpu.memory_space<vmem>> -> memref<4x64x128xf32, #tpu.memory_space<vmem>>
      %gather3A_271 = tpu.vector_load_idx %gather3A_270[%broadcast_in_dim3A_243, %add3A_264, %broadcast_in_dim3A] : memref<4x64x128xf32, #tpu.memory_space<vmem>>[vector<16xi32>, vector<16xi32>, vector<16xi32>], vector<16xf32>,
      %swap3A_272 = arith.constant 2 : i32
      %swap3A_273 = arith.constant 0 : i32
      %swap3A_274 = arith.index_cast %swap3A_272 : i32 to index
      %swap3A_275 = arith.index_cast %swap3A_273 : i32 to index
      %swap3A_276 = arith.constant 16 : index
      %swap3A_277 = tpu.vector_load %arg7[%swap3A_274, %swap3A_275, %swap3A_276] {strides = array<i32>} : memref<4x1x128xf32, #tpu.memory_space<vmem>>, vector<16xf32>,
      tpu.vector_store %arg7[%swap3A_274, %swap3A_275, %swap3A_276], %gather3A_271 {strides = array<i32>} : memref<4x1x128xf32, #tpu.memory_space<vmem>>, vector<16xf32>,
      %iota3A_278 = tpu.iota {dimensions = array<i32: 0>} : vector<16xi32>
      %add3A_279 = arith.constant 32 : i32
      %add3A_280 = vector.broadcast %add3A_279 : i32 to vector<16xi32>
      %add3A_281 = arith.addi %add3A_280, %iota3A_278 : vector<16xi32>
      %gather3A_282 = arith.constant 0 : i32
      %gather3A_283 = arith.constant 0 : i32
      %gather3A_284 = arith.constant 0 : i32
      %gather3A_285 = arith.constant 0 : i32
      %gather3A_286 = tpu.memref_slice %arg6[%gather3A_282, %gather3A_283, %gather3A_284, %gather3A_285] : memref<2x4x64x128xf32, #tpu.memory_space<vmem>> -> memref<1x4x64x128xf32, #tpu.memory_space<vmem>>
      %gather3A_287 = tpu.memref_squeeze %gather3A_286 : memref<1x4x64x128xf32, #tpu.memory_space<vmem>> -> memref<4x64x128xf32, #tpu.memory_space<vmem>>
      %gather3A_288 = tpu.vector_load_idx %gather3A_287[%broadcast_in_dim3A_243, %add3A_281, %broadcast_in_dim3A] : memref<4x64x128xf32, #tpu.memory_space<vmem>>[vector<16xi32>, vector<16xi32>, vector<16xi32>], vector<16xf32>,
      %swap3A_289 = arith.constant 2 : i32
      %swap3A_290 = arith.constant 0 : i32
      %swap3A_291 = arith.index_cast %swap3A_289 : i32 to index
      %swap3A_292 = arith.index_cast %swap3A_290 : i32 to index
      %swap3A_293 = arith.constant 32 : index
      %swap3A_294 = tpu.vector_load %arg7[%swap3A_291, %swap3A_292, %swap3A_293] {strides = array<i32>} : memref<4x1x128xf32, #tpu.memory_space<vmem>>, vector<16xf32>,
      tpu.vector_store %arg7[%swap3A_291, %swap3A_292, %swap3A_293], %gather3A_288 {strides = array<i32>} : memref<4x1x128xf32, #tpu.memory_space<vmem>>, vector<16xf32>,
      %iota3A_295 = tpu.iota {dimensions = array<i32: 0>} : vector<16xi32>
      %add3A_296 = arith.constant 48 : i32
      %add3A_297 = vector.broadcast %add3A_296 : i32 to vector<16xi32>
      %add3A_298 = arith.addi %add3A_297, %iota3A_295 : vector<16xi32>
      %gather3A_299 = arith.constant 0 : i32
      %gather3A_300 = arith.constant 0 : i32
      %gather3A_301 = arith.constant 0 : i32
      %gather3A_302 = arith.constant 0 : i32
      %gather3A_303 = tpu.memref_slice %arg6[%gather3A_299, %gather3A_300, %gather3A_301, %gather3A_302] : memref<2x4x64x128xf32, #tpu.memory_space<vmem>> -> memref<1x4x64x128xf32, #tpu.memory_space<vmem>>
      %gather3A_304 = tpu.memref_squeeze %gather3A_303 : memref<1x4x64x128xf32, #tpu.memory_space<vmem>> -> memref<4x64x128xf32, #tpu.memory_space<vmem>>
      %gather3A_305 = tpu.vector_load_idx %gather3A_304[%broadcast_in_dim3A_243, %add3A_298, %broadcast_in_dim3A] : memref<4x64x128xf32, #tpu.memory_space<vmem>>[vector<16xi32>, vector<16xi32>, vector<16xi32>], vector<16xf32>,
      %swap3A_306 = arith.constant 2 : i32
      %swap3A_307 = arith.constant 0 : i32
      %swap3A_308 = arith.index_cast %swap3A_306 : i32 to index
      %swap3A_309 = arith.index_cast %swap3A_307 : i32 to index
      %swap3A_310 = arith.constant 48 : index
      %swap3A_311 = tpu.vector_load %arg7[%swap3A_308, %swap3A_309, %swap3A_310] {strides = array<i32>} : memref<4x1x128xf32, #tpu.memory_space<vmem>>, vector<16xf32>,
      tpu.vector_store %arg7[%swap3A_308, %swap3A_309, %swap3A_310], %gather3A_305 {strides = array<i32>} : memref<4x1x128xf32, #tpu.memory_space<vmem>>, vector<16xf32>,
      %broadcast_in_dim3A_312 = arith.constant 3 : i32
      %broadcast_in_dim3A_313 = vector.broadcast %broadcast_in_dim3A_312 : i32 to vector<16xi32>
      %iota3A_314 = tpu.iota {dimensions = array<i32: 0>} : vector<16xi32>
      %add3A_315 = arith.constant 0 : i32
      %add3A_316 = vector.broadcast %add3A_315 : i32 to vector<16xi32>
      %add3A_317 = arith.addi %add3A_316, %iota3A_314 : vector<16xi32>
      %gather3A_318 = arith.constant 0 : i32
      %gather3A_319 = arith.constant 0 : i32
      %gather3A_320 = arith.constant 0 : i32
      %gather3A_321 = arith.constant 0 : i32
      %gather3A_322 = tpu.memref_slice %arg6[%gather3A_318, %gather3A_319, %gather3A_320, %gather3A_321] : memref<2x4x64x128xf32, #tpu.memory_space<vmem>> -> memref<1x4x64x128xf32, #tpu.memory_space<vmem>>
      %gather3A_323 = tpu.memref_squeeze %gather3A_322 : memref<1x4x64x128xf32, #tpu.memory_space<vmem>> -> memref<4x64x128xf32, #tpu.memory_space<vmem>>
      %gather3A_324 = tpu.vector_load_idx %gather3A_323[%broadcast_in_dim3A_313, %add3A_317, %broadcast_in_dim3A] : memref<4x64x128xf32, #tpu.memory_space<vmem>>[vector<16xi32>, vector<16xi32>, vector<16xi32>], vector<16xf32>,
      %swap3A_325 = arith.constant 3 : i32
      %swap3A_326 = arith.constant 0 : i32
      %swap3A_327 = arith.index_cast %swap3A_325 : i32 to index
      %swap3A_328 = arith.index_cast %swap3A_326 : i32 to index
      %swap3A_329 = arith.constant 0 : index
      %swap3A_330 = tpu.vector_load %arg7[%swap3A_327, %swap3A_328, %swap3A_329] {strides = array<i32>} : memref<4x1x128xf32, #tpu.memory_space<vmem>>, vector<16xf32>,
      tpu.vector_store %arg7[%swap3A_327, %swap3A_328, %swap3A_329], %gather3A_324 {strides = array<i32>} : memref<4x1x128xf32, #tpu.memory_space<vmem>>, vector<16xf32>,
      %iota3A_331 = tpu.iota {dimensions = array<i32: 0>} : vector<16xi32>
      %add3A_332 = arith.constant 16 : i32
      %add3A_333 = vector.broadcast %add3A_332 : i32 to vector<16xi32>
      %add3A_334 = arith.addi %add3A_333, %iota3A_331 : vector<16xi32>
      %gather3A_335 = arith.constant 0 : i32
      %gather3A_336 = arith.constant 0 : i32
      %gather3A_337 = arith.constant 0 : i32
      %gather3A_338 = arith.constant 0 : i32
      %gather3A_339 = tpu.memref_slice %arg6[%gather3A_335, %gather3A_336, %gather3A_337, %gather3A_338] : memref<2x4x64x128xf32, #tpu.memory_space<vmem>> -> memref<1x4x64x128xf32, #tpu.memory_space<vmem>>
      %gather3A_340 = tpu.memref_squeeze %gather3A_339 : memref<1x4x64x128xf32, #tpu.memory_space<vmem>> -> memref<4x64x128xf32, #tpu.memory_space<vmem>>
      %gather3A_341 = tpu.vector_load_idx %gather3A_340[%broadcast_in_dim3A_313, %add3A_334, %broadcast_in_dim3A] : memref<4x64x128xf32, #tpu.memory_space<vmem>>[vector<16xi32>, vector<16xi32>, vector<16xi32>], vector<16xf32>,
      %swap3A_342 = arith.constant 3 : i32
      %swap3A_343 = arith.constant 0 : i32
      %swap3A_344 = arith.index_cast %swap3A_342 : i32 to index
      %swap3A_345 = arith.index_cast %swap3A_343 : i32 to index
      %swap3A_346 = arith.constant 16 : index
      %swap3A_347 = tpu.vector_load %arg7[%swap3A_344, %swap3A_345, %swap3A_346] {strides = array<i32>} : memref<4x1x128xf32, #tpu.memory_space<vmem>>, vector<16xf32>,
      tpu.vector_store %arg7[%swap3A_344, %swap3A_345, %swap3A_346], %gather3A_341 {strides = array<i32>} : memref<4x1x128xf32, #tpu.memory_space<vmem>>, vector<16xf32>,
      %iota3A_348 = tpu.iota {dimensions = array<i32: 0>} : vector<16xi32>
      %add3A_349 = arith.constant 32 : i32
      %add3A_350 = vector.broadcast %add3A_349 : i32 to vector<16xi32>
      %add3A_351 = arith.addi %add3A_350, %iota3A_348 : vector<16xi32>
      %gather3A_352 = arith.constant 0 : i32
      %gather3A_353 = arith.constant 0 : i32
      %gather3A_354 = arith.constant 0 : i32
      %gather3A_355 = arith.constant 0 : i32
      %gather3A_356 = tpu.memref_slice %arg6[%gather3A_352, %gather3A_353, %gather3A_354, %gather3A_355] : memref<2x4x64x128xf32, #tpu.memory_space<vmem>> -> memref<1x4x64x128xf32, #tpu.memory_space<vmem>>
      %gather3A_357 = tpu.memref_squeeze %gather3A_356 : memref<1x4x64x128xf32, #tpu.memory_space<vmem>> -> memref<4x64x128xf32, #tpu.memory_space<vmem>>
      %gather3A_358 = tpu.vector_load_idx %gather3A_357[%broadcast_in_dim3A_313, %add3A_351, %broadcast_in_dim3A] : memref<4x64x128xf32, #tpu.memory_space<vmem>>[vector<16xi32>, vector<16xi32>, vector<16xi32>], vector<16xf32>,
      %swap3A_359 = arith.constant 3 : i32
      %swap3A_360 = arith.constant 0 : i32
      %swap3A_361 = arith.index_cast %swap3A_359 : i32 to index
      %swap3A_362 = arith.index_cast %swap3A_360 : i32 to index
      %swap3A_363 = arith.constant 32 : index
      %swap3A_364 = tpu.vector_load %arg7[%swap3A_361, %swap3A_362, %swap3A_363] {strides = array<i32>} : memref<4x1x128xf32, #tpu.memory_space<vmem>>, vector<16xf32>,
      tpu.vector_store %arg7[%swap3A_361, %swap3A_362, %swap3A_363], %gather3A_358 {strides = array<i32>} : memref<4x1x128xf32, #tpu.memory_space<vmem>>, vector<16xf32>,
      %iota3A_365 = tpu.iota {dimensions = array<i32: 0>} : vector<16xi32>
      %add3A_366 = arith.constant 48 : i32
      %add3A_367 = vector.broadcast %add3A_366 : i32 to vector<16xi32>
      %add3A_368 = arith.addi %add3A_367, %iota3A_365 : vector<16xi32>
      %gather3A_369 = arith.constant 0 : i32
      %gather3A_370 = arith.constant 0 : i32
      %gather3A_371 = arith.constant 0 : i32
      %gather3A_372 = arith.constant 0 : i32
      %gather3A_373 = tpu.memref_slice %arg6[%gather3A_369, %gather3A_370, %gather3A_371, %gather3A_372] : memref<2x4x64x128xf32, #tpu.memory_space<vmem>> -> memref<1x4x64x128xf32, #tpu.memory_space<vmem>>
      %gather3A_374 = tpu.memref_squeeze %gather3A_373 : memref<1x4x64x128xf32, #tpu.memory_space<vmem>> -> memref<4x64x128xf32, #tpu.memory_space<vmem>>
      %gather3A_375 = tpu.vector_load_idx %gather3A_374[%broadcast_in_dim3A_313, %add3A_368, %broadcast_in_dim3A] : memref<4x64x128xf32, #tpu.memory_space<vmem>>[vector<16xi32>, vector<16xi32>, vector<16xi32>], vector<16xf32>,
      %swap3A_376 = arith.constant 3 : i32
      %swap3A_377 = arith.constant 0 : i32
      %swap3A_378 = arith.index_cast %swap3A_376 : i32 to index
      %swap3A_379 = arith.index_cast %swap3A_377 : i32 to index
      %swap3A_380 = arith.constant 48 : index
      %swap3A_381 = tpu.vector_load %arg7[%swap3A_378, %swap3A_379, %swap3A_380] {strides = array<i32>} : memref<4x1x128xf32, #tpu.memory_space<vmem>>, vector<16xf32>,
      tpu.vector_store %arg7[%swap3A_378, %swap3A_379, %swap3A_380], %gather3A_375 {strides = array<i32>} : memref<4x1x128xf32, #tpu.memory_space<vmem>>, vector<16xf32>,
      %dma_wait3A_382 = arith.constant 1 : i32
      %dma_wait3A_383 = arith.constant 0 : i32
      %dma_wait3A_384 = arith.constant 0 : i32
      %dma_wait3A_385 = arith.constant 0 : i32
      %dma_wait3A_386 = tpu.memref_slice %arg6[%dma_wait3A_382, %dma_wait3A_383, %dma_wait3A_384, %dma_wait3A_385] : memref<2x4x64x128xf32, #tpu.memory_space<vmem>> -> memref<1x4x64x128xf32, #tpu.memory_space<vmem>>
      %dma_wait3A_387 = tpu.memref_squeeze %dma_wait3A_386 : memref<1x4x64x128xf32, #tpu.memory_space<vmem>> -> memref<4x64x128xf32, #tpu.memory_space<vmem>>
      %dma_wait3A_388 = arith.constant 0 : i32
      %dma_wait3A_389 = arith.constant 0 : i32
      %dma_wait3A_390 = tpu.memref_slice %arg3[%dma_wait3A_388, %dma_wait3A_389, %mul3A_70] : memref<4x64x100000xf32, #tpu.memory_space<hbm>> -> memref<4x64x128xf32, #tpu.memory_space<hbm>>
      %dma_wait3A_391 = arith.constant 0 : i32
      %dma_wait3A_392 = arith.constant 0 : i32
      %dma_wait3A_393 = arith.constant 0 : i32
      %dma_wait3A_394 = tpu.memref_slice %arg6[%dma_wait3A_382, %dma_wait3A_391, %dma_wait3A_392, %dma_wait3A_393] : memref<2x4x64x128xf32, #tpu.memory_space<vmem>> -> memref<1x4x64x128xf32, #tpu.memory_space<vmem>>
      %dma_wait3A_395 = tpu.memref_squeeze %dma_wait3A_394 : memref<1x4x64x128xf32, #tpu.memory_space<vmem>> -> memref<4x64x128xf32, #tpu.memory_space<vmem>>
      %dma_wait3A_396 = arith.constant 0 : i32
      %dma_wait3A_397 = arith.constant 0 : i32
      %dma_wait3A_398 = tpu.memref_slice %arg3[%dma_wait3A_396, %dma_wait3A_397, %mul3A_70] : memref<4x64x100000xf32, #tpu.memory_space<hbm>> -> memref<4x64x128xf32, #tpu.memory_space<hbm>>
      tpu.wait_dma2 semaphore(%arg8 : memref<!tpu.dma_semaphore, #tpu.memory_space<semaphore_mem>>) src(%dma_wait3A_398 : memref<4x64x128xf32, #tpu.memory_space<hbm>>) dst(%dma_wait3A_395 : memref<4x64x128xf32, #tpu.memory_space<vmem>>)
      %broadcast_in_dim3A_399 = vector.broadcast %sub3A_88 : i32 to vector<16xi32>
      %broadcast_in_dim3A_400 = arith.constant 0 : i32
      %broadcast_in_dim3A_401 = vector.broadcast %broadcast_in_dim3A_400 : i32 to vector<16xi32>
      %iota3A_402 = tpu.iota {dimensions = array<i32: 0>} : vector<16xi32>
      %add3A_403 = arith.constant 0 : i32
      %add3A_404 = vector.broadcast %add3A_403 : i32 to vector<16xi32>
      %add3A_405 = arith.addi %add3A_404, %iota3A_402 : vector<16xi32>
      %gather3A_406 = arith.constant 1 : i32
      %gather3A_407 = arith.constant 0 : i32
      %gather3A_408 = arith.constant 0 : i32
      %gather3A_409 = arith.constant 0 : i32
      %gather3A_410 = tpu.memref_slice %arg6[%gather3A_406, %gather3A_407, %gather3A_408, %gather3A_409] : memref<2x4x64x128xf32, #tpu.memory_space<vmem>> -> memref<1x4x64x128xf32, #tpu.memory_space<vmem>>
      %gather3A_411 = tpu.memref_squeeze %gather3A_410 : memref<1x4x64x128xf32, #tpu.memory_space<vmem>> -> memref<4x64x128xf32, #tpu.memory_space<vmem>>
      %gather3A_412 = tpu.vector_load_idx %gather3A_411[%broadcast_in_dim3A_401, %add3A_405, %broadcast_in_dim3A_399] : memref<4x64x128xf32, #tpu.memory_space<vmem>>[vector<16xi32>, vector<16xi32>, vector<16xi32>], vector<16xf32>,
      %swap3A_413 = arith.constant 0 : i32
      %swap3A_414 = arith.constant 0 : i32
      %swap3A_415 = arith.index_cast %swap3A_413 : i32 to index
      %swap3A_416 = arith.index_cast %swap3A_414 : i32 to index
      %swap3A_417 = arith.constant 64 : index
      %swap3A_418 = tpu.vector_load %arg7[%swap3A_415, %swap3A_416, %swap3A_417] {strides = array<i32>} : memref<4x1x128xf32, #tpu.memory_space<vmem>>, vector<16xf32>,
      tpu.vector_store %arg7[%swap3A_415, %swap3A_416, %swap3A_417], %gather3A_412 {strides = array<i32>} : memref<4x1x128xf32, #tpu.memory_space<vmem>>, vector<16xf32>,
      %iota3A_419 = tpu.iota {dimensions = array<i32: 0>} : vector<16xi32>
      %add3A_420 = arith.constant 16 : i32
      %add3A_421 = vector.broadcast %add3A_420 : i32 to vector<16xi32>
      %add3A_422 = arith.addi %add3A_421, %iota3A_419 : vector<16xi32>
      %gather3A_423 = arith.constant 1 : i32
      %gather3A_424 = arith.constant 0 : i32
      %gather3A_425 = arith.constant 0 : i32
      %gather3A_426 = arith.constant 0 : i32
      %gather3A_427 = tpu.memref_slice %arg6[%gather3A_423, %gather3A_424, %gather3A_425, %gather3A_426] : memref<2x4x64x128xf32, #tpu.memory_space<vmem>> -> memref<1x4x64x128xf32, #tpu.memory_space<vmem>>
      %gather3A_428 = tpu.memref_squeeze %gather3A_427 : memref<1x4x64x128xf32, #tpu.memory_space<vmem>> -> memref<4x64x128xf32, #tpu.memory_space<vmem>>
      %gather3A_429 = tpu.vector_load_idx %gather3A_428[%broadcast_in_dim3A_401, %add3A_422, %broadcast_in_dim3A_399] : memref<4x64x128xf32, #tpu.memory_space<vmem>>[vector<16xi32>, vector<16xi32>, vector<16xi32>], vector<16xf32>,
      %swap3A_430 = arith.constant 0 : i32
      %swap3A_431 = arith.constant 0 : i32
      %swap3A_432 = arith.index_cast %swap3A_430 : i32 to index
      %swap3A_433 = arith.index_cast %swap3A_431 : i32 to index
      %swap3A_434 = arith.constant 80 : index
      %swap3A_435 = tpu.vector_load %arg7[%swap3A_432, %swap3A_433, %swap3A_434] {strides = array<i32>} : memref<4x1x128xf32, #tpu.memory_space<vmem>>, vector<16xf32>,
      tpu.vector_store %arg7[%swap3A_432, %swap3A_433, %swap3A_434], %gather3A_429 {strides = array<i32>} : memref<4x1x128xf32, #tpu.memory_space<vmem>>, vector<16xf32>,
      %iota3A_436 = tpu.iota {dimensions = array<i32: 0>} : vector<16xi32>
      %add3A_437 = arith.constant 32 : i32
      %add3A_438 = vector.broadcast %add3A_437 : i32 to vector<16xi32>
      %add3A_439 = arith.addi %add3A_438, %iota3A_436 : vector<16xi32>
      %gather3A_440 = arith.constant 1 : i32
      %gather3A_441 = arith.constant 0 : i32
      %gather3A_442 = arith.constant 0 : i32
      %gather3A_443 = arith.constant 0 : i32
      %gather3A_444 = tpu.memref_slice %arg6[%gather3A_440, %gather3A_441, %gather3A_442, %gather3A_443] : memref<2x4x64x128xf32, #tpu.memory_space<vmem>> -> memref<1x4x64x128xf32, #tpu.memory_space<vmem>>
      %gather3A_445 = tpu.memref_squeeze %gather3A_444 : memref<1x4x64x128xf32, #tpu.memory_space<vmem>> -> memref<4x64x128xf32, #tpu.memory_space<vmem>>
      %gather3A_446 = tpu.vector_load_idx %gather3A_445[%broadcast_in_dim3A_401, %add3A_439, %broadcast_in_dim3A_399] : memref<4x64x128xf32, #tpu.memory_space<vmem>>[vector<16xi32>, vector<16xi32>, vector<16xi32>], vector<16xf32>,
      %swap3A_447 = arith.constant 0 : i32
      %swap3A_448 = arith.constant 0 : i32
      %swap3A_449 = arith.index_cast %swap3A_447 : i32 to index
      %swap3A_450 = arith.index_cast %swap3A_448 : i32 to index
      %swap3A_451 = arith.constant 96 : index
      %swap3A_452 = tpu.vector_load %arg7[%swap3A_449, %swap3A_450, %swap3A_451] {strides = array<i32>} : memref<4x1x128xf32, #tpu.memory_space<vmem>>, vector<16xf32>,
      tpu.vector_store %arg7[%swap3A_449, %swap3A_450, %swap3A_451], %gather3A_446 {strides = array<i32>} : memref<4x1x128xf32, #tpu.memory_space<vmem>>, vector<16xf32>,
      %iota3A_453 = tpu.iota {dimensions = array<i32: 0>} : vector<16xi32>
      %add3A_454 = arith.constant 48 : i32
      %add3A_455 = vector.broadcast %add3A_454 : i32 to vector<16xi32>
      %add3A_456 = arith.addi %add3A_455, %iota3A_453 : vector<16xi32>
      %gather3A_457 = arith.constant 1 : i32
      %gather3A_458 = arith.constant 0 : i32
      %gather3A_459 = arith.constant 0 : i32
      %gather3A_460 = arith.constant 0 : i32
      %gather3A_461 = tpu.memref_slice %arg6[%gather3A_457, %gather3A_458, %gather3A_459, %gather3A_460] : memref<2x4x64x128xf32, #tpu.memory_space<vmem>> -> memref<1x4x64x128xf32, #tpu.memory_space<vmem>>
      %gather3A_462 = tpu.memref_squeeze %gather3A_461 : memref<1x4x64x128xf32, #tpu.memory_space<vmem>> -> memref<4x64x128xf32, #tpu.memory_space<vmem>>
      %gather3A_463 = tpu.vector_load_idx %gather3A_462[%broadcast_in_dim3A_401, %add3A_456, %broadcast_in_dim3A_399] : memref<4x64x128xf32, #tpu.memory_space<vmem>>[vector<16xi32>, vector<16xi32>, vector<16xi32>], vector<16xf32>,
      %swap3A_464 = arith.constant 0 : i32
      %swap3A_465 = arith.constant 0 : i32
      %swap3A_466 = arith.index_cast %swap3A_464 : i32 to index
      %swap3A_467 = arith.index_cast %swap3A_465 : i32 to index
      %swap3A_468 = arith.constant 112 : index
      %swap3A_469 = tpu.vector_load %arg7[%swap3A_466, %swap3A_467, %swap3A_468] {strides = array<i32>} : memref<4x1x128xf32, #tpu.memory_space<vmem>>, vector<16xf32>,
      tpu.vector_store %arg7[%swap3A_466, %swap3A_467, %swap3A_468], %gather3A_463 {strides = array<i32>} : memref<4x1x128xf32, #tpu.memory_space<vmem>>, vector<16xf32>,
      %broadcast_in_dim3A_470 = arith.constant 1 : i32
      %broadcast_in_dim3A_471 = vector.broadcast %broadcast_in_dim3A_470 : i32 to vector<16xi32>
      %iota3A_472 = tpu.iota {dimensions = array<i32: 0>} : vector<16xi32>
      %add3A_473 = arith.constant 0 : i32
      %add3A_474 = vector.broadcast %add3A_473 : i32 to vector<16xi32>
      %add3A_475 = arith.addi %add3A_474, %iota3A_472 : vector<16xi32>
      %gather3A_476 = arith.constant 1 : i32
      %gather3A_477 = arith.constant 0 : i32
      %gather3A_478 = arith.constant 0 : i32
      %gather3A_479 = arith.constant 0 : i32
      %gather3A_480 = tpu.memref_slice %arg6[%gather3A_476, %gather3A_477, %gather3A_478, %gather3A_479] : memref<2x4x64x128xf32, #tpu.memory_space<vmem>> -> memref<1x4x64x128xf32, #tpu.memory_space<vmem>>
      %gather3A_481 = tpu.memref_squeeze %gather3A_480 : memref<1x4x64x128xf32, #tpu.memory_space<vmem>> -> memref<4x64x128xf32, #tpu.memory_space<vmem>>
      %gather3A_482 = tpu.vector_load_idx %gather3A_481[%broadcast_in_dim3A_471, %add3A_475, %broadcast_in_dim3A_399] : memref<4x64x128xf32, #tpu.memory_space<vmem>>[vector<16xi32>, vector<16xi32>, vector<16xi32>], vector<16xf32>,
      %swap3A_483 = arith.constant 1 : i32
      %swap3A_484 = arith.constant 0 : i32
      %swap3A_485 = arith.index_cast %swap3A_483 : i32 to index
      %swap3A_486 = arith.index_cast %swap3A_484 : i32 to index
      %swap3A_487 = arith.constant 64 : index
      %swap3A_488 = tpu.vector_load %arg7[%swap3A_485, %swap3A_486, %swap3A_487] {strides = array<i32>} : memref<4x1x128xf32, #tpu.memory_space<vmem>>, vector<16xf32>,
      tpu.vector_store %arg7[%swap3A_485, %swap3A_486, %swap3A_487], %gather3A_482 {strides = array<i32>} : memref<4x1x128xf32, #tpu.memory_space<vmem>>, vector<16xf32>,
      %iota3A_489 = tpu.iota {dimensions = array<i32: 0>} : vector<16xi32>
      %add3A_490 = arith.constant 16 : i32
      %add3A_491 = vector.broadcast %add3A_490 : i32 to vector<16xi32>
      %add3A_492 = arith.addi %add3A_491, %iota3A_489 : vector<16xi32>
      %gather3A_493 = arith.constant 1 : i32
      %gather3A_494 = arith.constant 0 : i32
      %gather3A_495 = arith.constant 0 : i32
      %gather3A_496 = arith.constant 0 : i32
      %gather3A_497 = tpu.memref_slice %arg6[%gather3A_493, %gather3A_494, %gather3A_495, %gather3A_496] : memref<2x4x64x128xf32, #tpu.memory_space<vmem>> -> memref<1x4x64x128xf32, #tpu.memory_space<vmem>>
      %gather3A_498 = tpu.memref_squeeze %gather3A_497 : memref<1x4x64x128xf32, #tpu.memory_space<vmem>> -> memref<4x64x128xf32, #tpu.memory_space<vmem>>
      %gather3A_499 = tpu.vector_load_idx %gather3A_498[%broadcast_in_dim3A_471, %add3A_492, %broadcast_in_dim3A_399] : memref<4x64x128xf32, #tpu.memory_space<vmem>>[vector<16xi32>, vector<16xi32>, vector<16xi32>], vector<16xf32>,
      %swap3A_500 = arith.constant 1 : i32
      %swap3A_501 = arith.constant 0 : i32
      %swap3A_502 = arith.index_cast %swap3A_500 : i32 to index
      %swap3A_503 = arith.index_cast %swap3A_501 : i32 to index
      %swap3A_504 = arith.constant 80 : index
      %swap3A_505 = tpu.vector_load %arg7[%swap3A_502, %swap3A_503, %swap3A_504] {strides = array<i32>} : memref<4x1x128xf32, #tpu.memory_space<vmem>>, vector<16xf32>,
      tpu.vector_store %arg7[%swap3A_502, %swap3A_503, %swap3A_504], %gather3A_499 {strides = array<i32>} : memref<4x1x128xf32, #tpu.memory_space<vmem>>, vector<16xf32>,
      %iota3A_506 = tpu.iota {dimensions = array<i32: 0>} : vector<16xi32>
      %add3A_507 = arith.constant 32 : i32
      %add3A_508 = vector.broadcast %add3A_507 : i32 to vector<16xi32>
      %add3A_509 = arith.addi %add3A_508, %iota3A_506 : vector<16xi32>
      %gather3A_510 = arith.constant 1 : i32
      %gather3A_511 = arith.constant 0 : i32
      %gather3A_512 = arith.constant 0 : i32
      %gather3A_513 = arith.constant 0 : i32
      %gather3A_514 = tpu.memref_slice %arg6[%gather3A_510, %gather3A_511, %gather3A_512, %gather3A_513] : memref<2x4x64x128xf32, #tpu.memory_space<vmem>> -> memref<1x4x64x128xf32, #tpu.memory_space<vmem>>
      %gather3A_515 = tpu.memref_squeeze %gather3A_514 : memref<1x4x64x128xf32, #tpu.memory_space<vmem>> -> memref<4x64x128xf32, #tpu.memory_space<vmem>>
      %gather3A_516 = tpu.vector_load_idx %gather3A_515[%broadcast_in_dim3A_471, %add3A_509, %broadcast_in_dim3A_399] : memref<4x64x128xf32, #tpu.memory_space<vmem>>[vector<16xi32>, vector<16xi32>, vector<16xi32>], vector<16xf32>,
      %swap3A_517 = arith.constant 1 : i32
      %swap3A_518 = arith.constant 0 : i32
      %swap3A_519 = arith.index_cast %swap3A_517 : i32 to index
      %swap3A_520 = arith.index_cast %swap3A_518 : i32 to index
      %swap3A_521 = arith.constant 96 : index
      %swap3A_522 = tpu.vector_load %arg7[%swap3A_519, %swap3A_520, %swap3A_521] {strides = array<i32>} : memref<4x1x128xf32, #tpu.memory_space<vmem>>, vector<16xf32>,
      tpu.vector_store %arg7[%swap3A_519, %swap3A_520, %swap3A_521], %gather3A_516 {strides = array<i32>} : memref<4x1x128xf32, #tpu.memory_space<vmem>>, vector<16xf32>,
      %iota3A_523 = tpu.iota {dimensions = array<i32: 0>} : vector<16xi32>
      %add3A_524 = arith.constant 48 : i32
      %add3A_525 = vector.broadcast %add3A_524 : i32 to vector<16xi32>
      %add3A_526 = arith.addi %add3A_525, %iota3A_523 : vector<16xi32>
      %gather3A_527 = arith.constant 1 : i32
      %gather3A_528 = arith.constant 0 : i32
      %gather3A_529 = arith.constant 0 : i32
      %gather3A_530 = arith.constant 0 : i32
      %gather3A_531 = tpu.memref_slice %arg6[%gather3A_527, %gather3A_528, %gather3A_529, %gather3A_530] : memref<2x4x64x128xf32, #tpu.memory_space<vmem>> -> memref<1x4x64x128xf32, #tpu.memory_space<vmem>>
      %gather3A_532 = tpu.memref_squeeze %gather3A_531 : memref<1x4x64x128xf32, #tpu.memory_space<vmem>> -> memref<4x64x128xf32, #tpu.memory_space<vmem>>
      %gather3A_533 = tpu.vector_load_idx %gather3A_532[%broadcast_in_dim3A_471, %add3A_526, %broadcast_in_dim3A_399] : memref<4x64x128xf32, #tpu.memory_space<vmem>>[vector<16xi32>, vector<16xi32>, vector<16xi32>], vector<16xf32>,
      %swap3A_534 = arith.constant 1 : i32
      %swap3A_535 = arith.constant 0 : i32
      %swap3A_536 = arith.index_cast %swap3A_534 : i32 to index
      %swap3A_537 = arith.index_cast %swap3A_535 : i32 to index
      %swap3A_538 = arith.constant 112 : index
      %swap3A_539 = tpu.vector_load %arg7[%swap3A_536, %swap3A_537, %swap3A_538] {strides = array<i32>} : memref<4x1x128xf32, #tpu.memory_space<vmem>>, vector<16xf32>,
      tpu.vector_store %arg7[%swap3A_536, %swap3A_537, %swap3A_538], %gather3A_533 {strides = array<i32>} : memref<4x1x128xf32, #tpu.memory_space<vmem>>, vector<16xf32>,
      %broadcast_in_dim3A_540 = arith.constant 2 : i32
      %broadcast_in_dim3A_541 = vector.broadcast %broadcast_in_dim3A_540 : i32 to vector<16xi32>
      %iota3A_542 = tpu.iota {dimensions = array<i32: 0>} : vector<16xi32>
      %add3A_543 = arith.constant 0 : i32
      %add3A_544 = vector.broadcast %add3A_543 : i32 to vector<16xi32>
      %add3A_545 = arith.addi %add3A_544, %iota3A_542 : vector<16xi32>
      %gather3A_546 = arith.constant 1 : i32
      %gather3A_547 = arith.constant 0 : i32
      %gather3A_548 = arith.constant 0 : i32
      %gather3A_549 = arith.constant 0 : i32
      %gather3A_550 = tpu.memref_slice %arg6[%gather3A_546, %gather3A_547, %gather3A_548, %gather3A_549] : memref<2x4x64x128xf32, #tpu.memory_space<vmem>> -> memref<1x4x64x128xf32, #tpu.memory_space<vmem>>
      %gather3A_551 = tpu.memref_squeeze %gather3A_550 : memref<1x4x64x128xf32, #tpu.memory_space<vmem>> -> memref<4x64x128xf32, #tpu.memory_space<vmem>>
      %gather3A_552 = tpu.vector_load_idx %gather3A_551[%broadcast_in_dim3A_541, %add3A_545, %broadcast_in_dim3A_399] : memref<4x64x128xf32, #tpu.memory_space<vmem>>[vector<16xi32>, vector<16xi32>, vector<16xi32>], vector<16xf32>,
      %swap3A_553 = arith.constant 2 : i32
      %swap3A_554 = arith.constant 0 : i32
      %swap3A_555 = arith.index_cast %swap3A_553 : i32 to index
      %swap3A_556 = arith.index_cast %swap3A_554 : i32 to index
      %swap3A_557 = arith.constant 64 : index
      %swap3A_558 = tpu.vector_load %arg7[%swap3A_555, %swap3A_556, %swap3A_557] {strides = array<i32>} : memref<4x1x128xf32, #tpu.memory_space<vmem>>, vector<16xf32>,
      tpu.vector_store %arg7[%swap3A_555, %swap3A_556, %swap3A_557], %gather3A_552 {strides = array<i32>} : memref<4x1x128xf32, #tpu.memory_space<vmem>>, vector<16xf32>,
      %iota3A_559 = tpu.iota {dimensions = array<i32: 0>} : vector<16xi32>
      %add3A_560 = arith.constant 16 : i32
      %add3A_561 = vector.broadcast %add3A_560 : i32 to vector<16xi32>
      %add3A_562 = arith.addi %add3A_561, %iota3A_559 : vector<16xi32>
      %gather3A_563 = arith.constant 1 : i32
      %gather3A_564 = arith.constant 0 : i32
      %gather3A_565 = arith.constant 0 : i32
      %gather3A_566 = arith.constant 0 : i32
      %gather3A_567 = tpu.memref_slice %arg6[%gather3A_563, %gather3A_564, %gather3A_565, %gather3A_566] : memref<2x4x64x128xf32, #tpu.memory_space<vmem>> -> memref<1x4x64x128xf32, #tpu.memory_space<vmem>>
      %gather3A_568 = tpu.memref_squeeze %gather3A_567 : memref<1x4x64x128xf32, #tpu.memory_space<vmem>> -> memref<4x64x128xf32, #tpu.memory_space<vmem>>
      %gather3A_569 = tpu.vector_load_idx %gather3A_568[%broadcast_in_dim3A_541, %add3A_562, %broadcast_in_dim3A_399] : memref<4x64x128xf32, #tpu.memory_space<vmem>>[vector<16xi32>, vector<16xi32>, vector<16xi32>], vector<16xf32>,
      %swap3A_570 = arith.constant 2 : i32
      %swap3A_571 = arith.constant 0 : i32
      %swap3A_572 = arith.index_cast %swap3A_570 : i32 to index
      %swap3A_573 = arith.index_cast %swap3A_571 : i32 to index
      %swap3A_574 = arith.constant 80 : index
      %swap3A_575 = tpu.vector_load %arg7[%swap3A_572, %swap3A_573, %swap3A_574] {strides = array<i32>} : memref<4x1x128xf32, #tpu.memory_space<vmem>>, vector<16xf32>,
      tpu.vector_store %arg7[%swap3A_572, %swap3A_573, %swap3A_574], %gather3A_569 {strides = array<i32>} : memref<4x1x128xf32, #tpu.memory_space<vmem>>, vector<16xf32>,
      %iota3A_576 = tpu.iota {dimensions = array<i32: 0>} : vector<16xi32>
      %add3A_577 = arith.constant 32 : i32
      %add3A_578 = vector.broadcast %add3A_577 : i32 to vector<16xi32>
      %add3A_579 = arith.addi %add3A_578, %iota3A_576 : vector<16xi32>
      %gather3A_580 = arith.constant 1 : i32
      %gather3A_581 = arith.constant 0 : i32
      %gather3A_582 = arith.constant 0 : i32
      %gather3A_583 = arith.constant 0 : i32
      %gather3A_584 = tpu.memref_slice %arg6[%gather3A_580, %gather3A_581, %gather3A_582, %gather3A_583] : memref<2x4x64x128xf32, #tpu.memory_space<vmem>> -> memref<1x4x64x128xf32, #tpu.memory_space<vmem>>
      %gather3A_585 = tpu.memref_squeeze %gather3A_584 : memref<1x4x64x128xf32, #tpu.memory_space<vmem>> -> memref<4x64x128xf32, #tpu.memory_space<vmem>>
      %gather3A_586 = tpu.vector_load_idx %gather3A_585[%broadcast_in_dim3A_541, %add3A_579, %broadcast_in_dim3A_399] : memref<4x64x128xf32, #tpu.memory_space<vmem>>[vector<16xi32>, vector<16xi32>, vector<16xi32>], vector<16xf32>,
      %swap3A_587 = arith.constant 2 : i32
      %swap3A_588 = arith.constant 0 : i32
      %swap3A_589 = arith.index_cast %swap3A_587 : i32 to index
      %swap3A_590 = arith.index_cast %swap3A_588 : i32 to index
      %swap3A_591 = arith.constant 96 : index
      %swap3A_592 = tpu.vector_load %arg7[%swap3A_589, %swap3A_590, %swap3A_591] {strides = array<i32>} : memref<4x1x128xf32, #tpu.memory_space<vmem>>, vector<16xf32>,
      tpu.vector_store %arg7[%swap3A_589, %swap3A_590, %swap3A_591], %gather3A_586 {strides = array<i32>} : memref<4x1x128xf32, #tpu.memory_space<vmem>>, vector<16xf32>,
      %iota3A_593 = tpu.iota {dimensions = array<i32: 0>} : vector<16xi32>
      %add3A_594 = arith.constant 48 : i32
      %add3A_595 = vector.broadcast %add3A_594 : i32 to vector<16xi32>
      %add3A_596 = arith.addi %add3A_595, %iota3A_593 : vector<16xi32>
      %gather3A_597 = arith.constant 1 : i32
      %gather3A_598 = arith.constant 0 : i32
      %gather3A_599 = arith.constant 0 : i32
      %gather3A_600 = arith.constant 0 : i32
      %gather3A_601 = tpu.memref_slice %arg6[%gather3A_597, %gather3A_598, %gather3A_599, %gather3A_600] : memref<2x4x64x128xf32, #tpu.memory_space<vmem>> -> memref<1x4x64x128xf32, #tpu.memory_space<vmem>>
      %gather3A_602 = tpu.memref_squeeze %gather3A_601 : memref<1x4x64x128xf32, #tpu.memory_space<vmem>> -> memref<4x64x128xf32, #tpu.memory_space<vmem>>
      %gather3A_603 = tpu.vector_load_idx %gather3A_602[%broadcast_in_dim3A_541, %add3A_596, %broadcast_in_dim3A_399] : memref<4x64x128xf32, #tpu.memory_space<vmem>>[vector<16xi32>, vector<16xi32>, vector<16xi32>], vector<16xf32>,
      %swap3A_604 = arith.constant 2 : i32
      %swap3A_605 = arith.constant 0 : i32
      %swap3A_606 = arith.index_cast %swap3A_604 : i32 to index
      %swap3A_607 = arith.index_cast %swap3A_605 : i32 to index
      %swap3A_608 = arith.constant 112 : index
      %swap3A_609 = tpu.vector_load %arg7[%swap3A_606, %swap3A_607, %swap3A_608] {strides = array<i32>} : memref<4x1x128xf32, #tpu.memory_space<vmem>>, vector<16xf32>,
      tpu.vector_store %arg7[%swap3A_606, %swap3A_607, %swap3A_608], %gather3A_603 {strides = array<i32>} : memref<4x1x128xf32, #tpu.memory_space<vmem>>, vector<16xf32>,
      %broadcast_in_dim3A_610 = arith.constant 3 : i32
      %broadcast_in_dim3A_611 = vector.broadcast %broadcast_in_dim3A_610 : i32 to vector<16xi32>
      %iota3A_612 = tpu.iota {dimensions = array<i32: 0>} : vector<16xi32>
      %add3A_613 = arith.constant 0 : i32
      %add3A_614 = vector.broadcast %add3A_613 : i32 to vector<16xi32>
      %add3A_615 = arith.addi %add3A_614, %iota3A_612 : vector<16xi32>
      %gather3A_616 = arith.constant 1 : i32
      %gather3A_617 = arith.constant 0 : i32
      %gather3A_618 = arith.constant 0 : i32
      %gather3A_619 = arith.constant 0 : i32
      %gather3A_620 = tpu.memref_slice %arg6[%gather3A_616, %gather3A_617, %gather3A_618, %gather3A_619] : memref<2x4x64x128xf32, #tpu.memory_space<vmem>> -> memref<1x4x64x128xf32, #tpu.memory_space<vmem>>
      %gather3A_621 = tpu.memref_squeeze %gather3A_620 : memref<1x4x64x128xf32, #tpu.memory_space<vmem>> -> memref<4x64x128xf32, #tpu.memory_space<vmem>>
      %gather3A_622 = tpu.vector_load_idx %gather3A_621[%broadcast_in_dim3A_611, %add3A_615, %broadcast_in_dim3A_399] : memref<4x64x128xf32, #tpu.memory_space<vmem>>[vector<16xi32>, vector<16xi32>, vector<16xi32>], vector<16xf32>,
      %swap3A_623 = arith.constant 3 : i32
      %swap3A_624 = arith.constant 0 : i32
      %swap3A_625 = arith.index_cast %swap3A_623 : i32 to index
      %swap3A_626 = arith.index_cast %swap3A_624 : i32 to index
      %swap3A_627 = arith.constant 64 : index
      %swap3A_628 = tpu.vector_load %arg7[%swap3A_625, %swap3A_626, %swap3A_627] {strides = array<i32>} : memref<4x1x128xf32, #tpu.memory_space<vmem>>, vector<16xf32>,
      tpu.vector_store %arg7[%swap3A_625, %swap3A_626, %swap3A_627], %gather3A_622 {strides = array<i32>} : memref<4x1x128xf32, #tpu.memory_space<vmem>>, vector<16xf32>,
      %iota3A_629 = tpu.iota {dimensions = array<i32: 0>} : vector<16xi32>
      %add3A_630 = arith.constant 16 : i32
      %add3A_631 = vector.broadcast %add3A_630 : i32 to vector<16xi32>
      %add3A_632 = arith.addi %add3A_631, %iota3A_629 : vector<16xi32>
      %gather3A_633 = arith.constant 1 : i32
      %gather3A_634 = arith.constant 0 : i32
      %gather3A_635 = arith.constant 0 : i32
      %gather3A_636 = arith.constant 0 : i32
      %gather3A_637 = tpu.memref_slice %arg6[%gather3A_633, %gather3A_634, %gather3A_635, %gather3A_636] : memref<2x4x64x128xf32, #tpu.memory_space<vmem>> -> memref<1x4x64x128xf32, #tpu.memory_space<vmem>>
      %gather3A_638 = tpu.memref_squeeze %gather3A_637 : memref<1x4x64x128xf32, #tpu.memory_space<vmem>> -> memref<4x64x128xf32, #tpu.memory_space<vmem>>
      %gather3A_639 = tpu.vector_load_idx %gather3A_638[%broadcast_in_dim3A_611, %add3A_632, %broadcast_in_dim3A_399] : memref<4x64x128xf32, #tpu.memory_space<vmem>>[vector<16xi32>, vector<16xi32>, vector<16xi32>], vector<16xf32>,
      %swap3A_640 = arith.constant 3 : i32
      %swap3A_641 = arith.constant 0 : i32
      %swap3A_642 = arith.index_cast %swap3A_640 : i32 to index
      %swap3A_643 = arith.index_cast %swap3A_641 : i32 to index
      %swap3A_644 = arith.constant 80 : index
      %swap3A_645 = tpu.vector_load %arg7[%swap3A_642, %swap3A_643, %swap3A_644] {strides = array<i32>} : memref<4x1x128xf32, #tpu.memory_space<vmem>>, vector<16xf32>,
      tpu.vector_store %arg7[%swap3A_642, %swap3A_643, %swap3A_644], %gather3A_639 {strides = array<i32>} : memref<4x1x128xf32, #tpu.memory_space<vmem>>, vector<16xf32>,
      %iota3A_646 = tpu.iota {dimensions = array<i32: 0>} : vector<16xi32>
      %add3A_647 = arith.constant 32 : i32
      %add3A_648 = vector.broadcast %add3A_647 : i32 to vector<16xi32>
      %add3A_649 = arith.addi %add3A_648, %iota3A_646 : vector<16xi32>
      %gather3A_650 = arith.constant 1 : i32
      %gather3A_651 = arith.constant 0 : i32
      %gather3A_652 = arith.constant 0 : i32
      %gather3A_653 = arith.constant 0 : i32
      %gather3A_654 = tpu.memref_slice %arg6[%gather3A_650, %gather3A_651, %gather3A_652, %gather3A_653] : memref<2x4x64x128xf32, #tpu.memory_space<vmem>> -> memref<1x4x64x128xf32, #tpu.memory_space<vmem>>
      %gather3A_655 = tpu.memref_squeeze %gather3A_654 : memref<1x4x64x128xf32, #tpu.memory_space<vmem>> -> memref<4x64x128xf32, #tpu.memory_space<vmem>>
      %gather3A_656 = tpu.vector_load_idx %gather3A_655[%broadcast_in_dim3A_611, %add3A_649, %broadcast_in_dim3A_399] : memref<4x64x128xf32, #tpu.memory_space<vmem>>[vector<16xi32>, vector<16xi32>, vector<16xi32>], vector<16xf32>,
      %swap3A_657 = arith.constant 3 : i32
      %swap3A_658 = arith.constant 0 : i32
      %swap3A_659 = arith.index_cast %swap3A_657 : i32 to index
      %swap3A_660 = arith.index_cast %swap3A_658 : i32 to index
      %swap3A_661 = arith.constant 96 : index
      %swap3A_662 = tpu.vector_load %arg7[%swap3A_659, %swap3A_660, %swap3A_661] {strides = array<i32>} : memref<4x1x128xf32, #tpu.memory_space<vmem>>, vector<16xf32>,
      tpu.vector_store %arg7[%swap3A_659, %swap3A_660, %swap3A_661], %gather3A_656 {strides = array<i32>} : memref<4x1x128xf32, #tpu.memory_space<vmem>>, vector<16xf32>,
      %iota3A_663 = tpu.iota {dimensions = array<i32: 0>} : vector<16xi32>
      %add3A_664 = arith.constant 48 : i32
      %add3A_665 = vector.broadcast %add3A_664 : i32 to vector<16xi32>
      %add3A_666 = arith.addi %add3A_665, %iota3A_663 : vector<16xi32>
      %gather3A_667 = arith.constant 1 : i32
      %gather3A_668 = arith.constant 0 : i32
      %gather3A_669 = arith.constant 0 : i32
      %gather3A_670 = arith.constant 0 : i32
      %gather3A_671 = tpu.memref_slice %arg6[%gather3A_667, %gather3A_668, %gather3A_669, %gather3A_670] : memref<2x4x64x128xf32, #tpu.memory_space<vmem>> -> memref<1x4x64x128xf32, #tpu.memory_space<vmem>>
      %gather3A_672 = tpu.memref_squeeze %gather3A_671 : memref<1x4x64x128xf32, #tpu.memory_space<vmem>> -> memref<4x64x128xf32, #tpu.memory_space<vmem>>
      %gather3A_673 = tpu.vector_load_idx %gather3A_672[%broadcast_in_dim3A_611, %add3A_666, %broadcast_in_dim3A_399] : memref<4x64x128xf32, #tpu.memory_space<vmem>>[vector<16xi32>, vector<16xi32>, vector<16xi32>], vector<16xf32>,
      %swap3A_674 = arith.constant 3 : i32
      %swap3A_675 = arith.constant 0 : i32
      %swap3A_676 = arith.index_cast %swap3A_674 : i32 to index
      %swap3A_677 = arith.index_cast %swap3A_675 : i32 to index
      %swap3A_678 = arith.constant 112 : index
      %swap3A_679 = tpu.vector_load %arg7[%swap3A_676, %swap3A_677, %swap3A_678] {strides = array<i32>} : memref<4x1x128xf32, #tpu.memory_space<vmem>>, vector<16xf32>,
      tpu.vector_store %arg7[%swap3A_676, %swap3A_677, %swap3A_678], %gather3A_673 {strides = array<i32>} : memref<4x1x128xf32, #tpu.memory_space<vmem>>, vector<16xf32>,
      "tpu.region"() ({
        %run_scoped3A = tpu.sem_alloc : memref<!tpu.dma_semaphore, #tpu.memory_space<semaphore_mem>>
        %dma_start3A_680 = arith.constant 0 : i32
        %dma_start3A_681 = arith.constant 1 : i32
        %dma_start3A_682 = arith.constant 0 : i32
        %dma_start3A_683 = tpu.memref_slice %arg4[%dma_start3A_680, %dma_start3A_681, %dma_start3A_682] : memref<4x2x128xf32, #tpu.memory_space<hbm>> -> memref<4x1x128xf32, #tpu.memory_space<hbm>>
        %dma_start3A_684 = arith.constant 0 : i32
        %dma_start3A_685 = arith.constant 1 : i32
        %dma_start3A_686 = arith.constant 0 : i32
        %dma_start3A_687 = tpu.memref_slice %arg4[%dma_start3A_684, %dma_start3A_685, %dma_start3A_686] : memref<4x2x128xf32, #tpu.memory_space<hbm>> -> memref<4x1x128xf32, #tpu.memory_space<hbm>>
        tpu.enqueue_dma source(%arg7 : memref<4x1x128xf32, #tpu.memory_space<vmem>>) target(%dma_start3A_687 : memref<4x1x128xf32, #tpu.memory_space<hbm>>) target_semaphore(%run_scoped3A : memref<!tpu.dma_semaphore, #tpu.memory_space<semaphore_mem>>)
        %dma_wait3A_688 = arith.constant 0 : i32
        %dma_wait3A_689 = arith.constant 1 : i32
        %dma_wait3A_690 = arith.constant 0 : i32
        %dma_wait3A_691 = tpu.memref_slice %arg4[%dma_wait3A_688, %dma_wait3A_689, %dma_wait3A_690] : memref<4x2x128xf32, #tpu.memory_space<hbm>> -> memref<4x1x128xf32, #tpu.memory_space<hbm>>
        %dma_wait3A_692 = arith.constant 0 : i32
        %dma_wait3A_693 = arith.constant 1 : i32
        %dma_wait3A_694 = arith.constant 0 : i32
        %dma_wait3A_695 = tpu.memref_slice %arg4[%dma_wait3A_692, %dma_wait3A_693, %dma_wait3A_694] : memref<4x2x128xf32, #tpu.memory_space<hbm>> -> memref<4x1x128xf32, #tpu.memory_space<hbm>>
        tpu.wait_dma2 semaphore(%run_scoped3A : memref<!tpu.dma_semaphore, #tpu.memory_space<semaphore_mem>>) src(%arg7 : memref<4x1x128xf32, #tpu.memory_space<vmem>>) dst(%dma_wait3A_695 : memref<4x1x128xf32, #tpu.memory_space<hbm>>)
        tpu.yield
      }) : () -> ()
    } else {
    }
    return
  }
}

</mosaic_0001>

<sc_bundles>
// kernel: kernel.3.cloned.1.call-start
scs
__scs_entry_jumppad:
0x0: {  	(pc) =	sbr.rel $0x88, $3  }
0x1: {  	(tag) =	ssettag $0x0;
	lr =	simm.s32 $0x1  }
0x2: {  	[smem:$0x3F9F] =	sst lr;
	_ =	strace $0xD0000000  }
0x3: {  	_ = 	snop  }
0x4: {  	_ = 	snop  }
0x5: {  	_ = 	snop  }
0x6: {  	_ = 	snop  }
0x7: {  	_ = 	snop  }
__scs_overlays_trampoline_lowered:
0x8: {  	[smem:$0x3FAE] =	sst s0  }
0x9: {  	[smem:$0x3FAF] =	sst s1  }
0xa: {  	[smem:$0x3FB0] =	sst s2  }
0xb: {  	[smem:$0x3FB1] =	sst s3  }
0xc: {  	[smem:$0x3FB2] =	sst s4  }
0xd: {  	[smem:$0x3FB3] =	sst s5  }
0xe: {  	[smem:$0x3FB4] =	sst s6  }
0xf: {  	[smem:$0x3FB5] =	sst s7  }
0x10: {  	[smem:$0x3FB6] =	sst s8  }
0x11: {  	[smem:$0x3FB7] =	sst s9;
	s0 =	simm.s32 @!p0 $0x0  }
0x12: {  	s1 =	sld [smem:$0x3F9D];
	s0 =	simm.s32 @p0 $0x1  }
0x13: {  	[smem:$0x3FB8] =	sst s0;
	s0 =	simm.s32 @!p1 $0x0  }
0x14: {  	s2 =	sld [smem:$0x3F9C];
	s0 =	simm.s32 @p1 $0x1  }
0x15: {  	[smem:$0x3FB9] =	sst s0;
	s0 =	simm.s32 @!p2 $0x0  }
0x16: {  	s3 =	sld [smem:$0x3FDB];
	s0 =	simm.s32 @p2 $0x1  }
0x17: {  	s4 =	simm.s32 $0x1BF5;
	[smem:$0x3FBB] =	sst s0  }
0x18: {  	s0 =	sld [smem:$0x3F9E];
	_ =	swait.ge [sflag:s4], $0x0  }
0x19: {  	s7 =	sld [smem:$0x3F9F]  }
0x1a: {  	s8 =	sadd.s32 $0xFFFFE003, lr  }
0x1b: {  	s9 =	sadd.s32 $0xFFFFFEF7, lr;
	s5 =	simm.s32 $0xFFFFFFFF;
	p2 =	slt.u32 s8, $0xFFFFF086  }
0x1c: {  	p1 =	slt.u32 s9, $0xF7A;
	s5 =	simm.s32 @!p2 $0x0  }
0x1d: {  	s5 =	simm.s32 @p1 $0x1;
	p0 =	seq.s32 s7, s2  }
0x1e: {  	s7 =	smul.u32 @!p0 $0xF7A, s2;
	p2 =	seq.s32 @!p0 s5, $0x0  }
0x1f: {  	s9 =	smul.u32 $0xF7A, s1;
	s8 =	simm.s32 @!p0 $0x1BF5;
	p2 =	por !p2, p0  }
0x20: {  	[sflag:s8] =	ssyncset.s32 @!p0 $0xFFFFF086;
	s6 =	sadd.s32 @!p0 s3, s7;
	s7 =	simm.s32 @!p0 $0x108  }
0x21: {  	s3 =	sadd.s32 s3, s9;
	s6 =	sadd.s32 @!p0 $0x88, s6;
	s7 =	simm.s32 @p2 $0x1082  }
0x22: {  	[simem:s7], [sflag:s8] =	dma.local @!p0 [hbm:s6], $0xF7A  }
0x23: {  	s9 =	sor.u32 $0xD0000000, s2;
	s6 =	simm.s32 $0x108;
	_ =	swait.ge @!p0 [sflag:s8], $0x0  }
0x24: {  	s3 =	sadd.s32 $0x88, s3;
	s6 =	simm.s32 @!p1 $0x1082;
	[sflag:s4] =	ssyncset.s32 $0xFFFFF086  }
0x25: {  	[simem:s6], [sflag:s4] =	dma.local [hbm:s3], $0xF7A  }
0x26: {  	[smem:$0x3F9F] =	sst s1;
	(tag) =	ssettag s2;
	_ =	strace s9  }
0x27: {  	s1 =	sld [smem:$0x3FAF]  }
0x28: {  	s2 =	sld [smem:$0x3FB0]  }
0x29: {  	s4 =	sld [smem:$0x3FB2]  }
0x2a: {  	p0 =	seq.s32 s5, $0x0;
	s5 =	sld [smem:$0x3FB3]  }
0x2b: {  	s6 =	sld [smem:$0x3FB4]  }
0x2c: {  	s7 =	sld [smem:$0x3FB5]  }
0x2d: {  	s3 =	simm.s32 $0x108;
	s8 =	sld [smem:$0x3FB6]  }
0x2e: {  	s3 =	simm.s32 @!p0 $0x1082;
	s9 =	sld [smem:$0x3FB7]  }
0x2f: {  	lr =	sadd.s32 s0, s3;
	s0 =	sld [smem:$0x3FAE]  }
0x30: {  	s3 =	sld [smem:$0x3FB1]  }
0x31: {  	[smem:$0x3FBA] =	sst s10  }
0x32: {  	s10 =	sld [smem:$0x3FB8];
	_ =	sdelay $0x3  }
0x33: {  	p0 =	seq.s32 s10, $0x1;
	s10 =	sld [smem:$0x3FBA];
	_ =	sdelay $0x3  }
0x34: {  	[smem:$0x3FBA] =	sst s10  }
0x35: {  	s10 =	sld [smem:$0x3FB9];
	_ =	sdelay $0x3  }
0x36: {  	p1 =	seq.s32 s10, $0x1;
	s10 =	sld [smem:$0x3FBA];
	_ =	sdelay $0x3  }
0x37: {  	[smem:$0x3FBA] =	sst s10  }
0x38: {  	s10 =	sld [smem:$0x3FBB]  }
0x39: {  	_ = 	snop;
	(pc) =	sbr.ind lr, $3  }
0x3a: {  	_ = 	snop  }
0x3b: {  	_ = 	snop  }
0x3c: {  	p2 =	seq.s32 s10, $0x1;
	s10 =	sld [smem:$0x3FBA]  }
0x3d: {  	_ =	shalt  }
0x3e: {  	_ =	shalt  }
0x3f: {  	_ =	shalt  }
0x40: {  	_ =	shalt  }
0x41: {  	_ =	shalt  }
0x42: {  	_ =	shalt  }
0x43: {  	_ =	shalt  }
0x44: {  	_ =	shalt  }
0x45: {  	_ =	shalt  }
0x46: {  	_ =	shalt  }
0x47: {  	_ =	shalt  }
0x48: {  	_ =	shalt  }
0x49: {  	_ =	shalt  }
0x4a: {  	_ =	shalt  }
0x4b: {  	_ =	shalt  }
0x4c: {  	_ =	shalt  }
0x4d: {  	_ =	shalt  }
0x4e: {  	_ =	shalt  }
0x4f: {  	_ =	shalt  }
0x50: {  	_ =	shalt  }
0x51: {  	_ =	shalt  }
0x52: {  	_ =	shalt  }
0x53: {  	_ =	shalt  }
0x54: {  	_ =	shalt  }
0x55: {  	_ =	shalt  }
0x56: {  	_ =	shalt  }
0x57: {  	_ =	shalt  }
0x58: {  	_ =	shalt  }
0x59: {  	_ =	shalt  }
0x5a: {  	_ =	shalt  }
0x5b: {  	_ =	shalt  }
0x5c: {  	_ =	shalt  }
0x5d: {  	_ =	shalt  }
0x5e: {  	_ =	shalt  }
0x5f: {  	_ =	shalt  }
0x60: {  	_ =	shalt  }
0x61: {  	_ =	shalt  }
0x62: {  	_ =	shalt  }
0x63: {  	_ =	shalt  }
0x64: {  	_ =	shalt  }
0x65: {  	_ =	shalt  }
0x66: {  	_ =	shalt  }
0x67: {  	_ =	shalt  }
0x68: {  	_ =	shalt  }
0x69: {  	_ =	shalt  }
0x6a: {  	_ =	shalt  }
0x6b: {  	_ =	shalt  }
0x6c: {  	_ =	shalt  }
0x6d: {  	_ =	shalt  }
0x6e: {  	_ =	shalt  }
0x6f: {  	_ =	shalt  }
0x70: {  	_ =	shalt  }
0x71: {  	_ =	shalt  }
0x72: {  	_ =	shalt  }
0x73: {  	_ =	shalt  }
0x74: {  	_ =	shalt  }
0x75: {  	_ =	shalt  }
0x76: {  	_ =	shalt  }
0x77: {  	_ =	shalt  }
0x78: {  	_ =	shalt  }
0x79: {  	_ =	shalt  }
0x7a: {  	_ =	shalt  }
0x7b: {  	_ =	shalt  }
0x7c: {  	_ =	shalt  }
0x7d: {  	_ =	shalt  }
0x7e: {  	_ =	shalt  }
0x7f: {  	_ =	shalt  }
0x80: {  	_ =	shalt  }
0x81: {  	_ =	shalt  }
0x82: {  	_ =	shalt  }
0x83: {  	_ =	shalt  }
0x84: {  	_ =	shalt  }
0x85: {  	_ =	shalt  }
0x86: {  	_ =	shalt  }
0x87: {  	_ =	shalt  }
.Lfunc_end0:
.L_simem_size_0:
called_computation_lowered:
.L_overlay_start_0:
0x88: {  	s0 =	sld [smem:$0x3FD9]  }
0x89: {  	s1 =	sld [smem:$0x3FFE];
	_ =	sdelay $0x3  }
0x8a: {  	s0 =	sadd.s32 s1, s0  }
0x8b: {  	[smem:$0x3FC6] =	sst s0  }
0x8c: {  	_ = 	snop  }
0x8d: {  	s0 =	sld [smem:$0x3FC9]  }
0x8e: {  	s17 =	sld [smem:$0x3FC8]  }
0x8f: {  	s2 =	sld [smem:$0x3FD0];
	(tm) =	ssettm $0x1  }
0x90: {  	s3 =	sld [smem:$0x3FFB];
	_ =	sdelay $0x3  }
0x91: {  	_ =	strace s3  }
0x92: {  	s3 =	sld [smem:$0x3FFC];
	_ =	sdelay $0x3  }
0x93: {  	_ =	strace s3  }
0x94: {  	s3 =	sld [smem:$0x3FFD];
	_ =	sdelay $0x3  }
0x95: {  	_ =	strace s3  }
0x96: {  	_ =	strace $0x8FFFFFFF  }
0x97: {  	s18 =	sld [smem:$0x3FDB];
	_ =	sdelay $0x1  }
0x98: {  	s4 =	simm.s32 $_scs_section_size  }
0x99: {  	s5 =	simm.s32 $_size__tile_overlayer_lowered;
	s6 =	simm.s32 $_tile_overlayer_lowered  }
0x9a: {  	s21 =	simm.s32 $0x1BFF;
	s20 =	sshll.u32 s6, $0x1;
	s3 =	sadd.s32 s4, s18  }
0x9b: {  	s7 =	simm.s32 $0x0;
	s19 =	sshll.u32 s5, $0x1;
	s5 =	sadd.s32 s20, s3  }
0x9c: {  	[timem:s7], [sflag:s21] =	dma.local [hbm:s5], s19  }
0x9d: {  	_ =	swait.ge [sflag:s21], s19  }
0x9e: {  	s4 =	ssub.s32 $0x0, s19;
	[sflag:s21] =	ssyncset.done $0x0  }
0x9f: {  	[sflag:s21] =	ssyncadd.s32 s4;
	_ =	sdelay $0x1  }
0xa0: {  	s22 =	simm.s32 $0x1B8B  }
0xa1: {  	_ =	swait.ge [sflag:s22], $0x1  }
0xa2: {  	[sflag:s22] =	ssyncset.done $0x0  }
0xa3: {  	s23 =	simm.s32 $0x1B8E;
	[sflag:s22] =	ssyncadd.s32 $0xFFFFFFFF  }
0xa4: {  	s24 =	simm.s32 $execute0_lowered;
	[smem:$0x3FD2] =	sst s23  }
0xa5: {  	s4 =	sshll.u32 s24, $0x1;
	_ =	strace $0x80000046;
	[dreg:$0x1] =	wrdreg $0xFFFFFFFF  }
0xa6: {  	s25 =	simm.s32 $_size_execute0_lowered;
	s3 =	sadd.s32 s3, s4;
	[dreg:$0x0] =	wrdreg $0x0  }
0xa7: {  	s4 =	sshll.u32 s25, $0x1;
	[dreg:$0x2] =	wrdreg s3  }
0xa8: {  	[dreg:$0x3] =	wrdreg s4  }
0xa9: {  	[dreg:$0x4] =	wrdreg $0xC0  }
0xaa: {  	_ =	task [dreg:s7], $0x5FFFF  }
0xab: {  	[dreg:$0x1] =	wrdreg $0xFFFFFFFF  }
0xac: {  	[dreg:$0x0] =	wrdreg $0x60  }
0xad: {  	[dreg:$0x2] =	wrdreg s0  }
0xae: {  	[dreg:$0x3] =	wrdreg s17  }
0xaf: {  	[dreg:$0x4] =	wrdreg s2  }
0xb0: {  	[dreg:$0x5] =	wrdreg $0x9  }
0xb1: {  	_ =	task.clear_ibuf [dreg:s7], $0x6FFFF;
	_ =	strace $0x90000046  }
0xb2: {  	s26 =	simm.s32 $0x9;
	_ =	strace $0x80000048  }
0xb3: {  	_ =	swait.ge [sflag:s26], $0x1  }
0xb4: {  	[sflag:s26] =	ssyncadd.s32 $0xFFFFFFFF  }
0xb5: {  	_ =	strace $0x90000048  }
0xb6: {  	_ =	sfence  }
0xb7: {  	s28 =	sld [smem:$0x0];
	_ =	sdelay $0x1  }
0xb8: {  	s29 =	srdreg.scid  }
0xb9: {  	s30 =	sshll.u32 s29, $0xD;
	s31 =	sshrl.u32 s29, $0x2  }
0xba: {  	s1 =	sand.u32 $0x1, s29;
	s2 =	sand.u32 $0x4000, s30;
	s0 =	sadd.s32 s31, s28  }
0xbb: {  	s1 =	sor.u32 s2, s1;
	s0 =	sshll.u32 s0, $0x11  }
0xbc: {  	s0 =	sor.u32 s0, s1  }
0xbd: {  	s0 =	sadd.s32 $0x8F2B, s0  }
0xbe: {  	[sflag:s0] =	ssyncadd.remote.s32 $0x1  }
0xbf: {  	_ =	sfence.sel $0xFFFF  }
0xc0: {  	[dreg:$0x0] =	wrdreg $0xFFFFFFFF;
	(pc) =	sbr.abs _section_cstart, $3  }
0xc1: {  	[dreg:$0x1] =	wrdreg $0xFFFFFFFF  }
0xc2: {  	_ =	task.clear_ibuf [dreg:s7], $0x2FFFF;
	_ =	strace $0x9FFFFFFF  }
0xc3: {  	(tm) =	ssettm $0x7FFFFFFF  }
tec
execute0_lowered:
.L_overlay_start_1:
0x0: {  	(tag) =	ssettag $0x1  }
0x1: {  	s1 =	stileid.u32  }
0x2: {  	p0 =	sgt.u32 s1, $0x1  }
.Ltmp0:
0x3: {  	s4 =	rddreg [dreg:$0x0];
	(pc) =	sbr.rel @p0 .LBB2_5-.Ltmp0, $4  }
0x4: {  	s3 =	rddreg [dreg:$0x1]  }
0x5: {  	s2 =	rddreg [dreg:$0x2];
	s5 =	simm.s32 $0x0  }
0x6: {  	[smem:$0x7FF] =	sst s5  }
0x7: {  	s0 =	rddreg [dreg:$0x3];
	_ =	strace $0x80000047  }
0x8: {  	[tilespmem:s5], [sflag:$0x2] =	stream.linear.gather [hbm4b:s4+s5], $0x2, $0x38;
	[tilespmem:$0x10280] =	vst v63  }
0x9: {  	s31 =	sand.u32 $0x1, s1  }
0xa: {  	p0 =	seq.s32 s31, $0x1  }
.Ltmp1:
0xb: {  	s30 =	simm.s32 $0x2;
	(pc) =	sbr.rel @!p0 .LBB2_2-.Ltmp1, $4  }
0xc: {  	_ =	swait.ge [sflag:s30], $0x2  }
0xd: {  	[sflag:s30] =	ssyncset.done $0x0  }
0xe: {  	[sflag:s30] =	ssyncadd.s32 $0xFFFFFFFE  }
0xf: {  	v0 =	vld [tilespmem:$0x0]  }
0x10: {  	_ =	sdelay $0x3  }
0x11: {  	(v2sf) =	vpush v0, $0x1;
	_ =	sdelay $0xe  }
0x12: {  	s6 =	spop (v2sf)  }
0x13: {  	s9 =	simm.s32 $0x400;
	s4 =	sand.u32 $0x7F, s6  }
0x14: {  	s5 =	sshra.s32 s6, $0x1F;
	p0 =	slt.s32 s6, $0x1;
	s25 =	sadd.s32 $0xC350, s6  }
0x15: {  	p1 =	sne.s32 s4, $0x0;
	s22 =	sshrl.u32 s5, $0x19;
	s5 =	simm.s32 $0x1  }
0x16: {  	s7 =	sand.u32 $0x7F, s25;
	s11 =	sshra.s32 s25, $0x1F;
	p5 =	slt.s32 s25, $0x1  }
0x17: {  	p0 =	por !p0, !p1;
	s4 =	sadd.s32 s22, s6;
	p6 =	sne.s32 s7, $0x0  }
0x18: {  	s26 =	sshrl.u32 s11, $0x19;
	s11 =	simm.s32 $0x1;
	p0 =	por !p0, !p0  }
0x19: {  	s4 =	sshrl.u32 s4, $0x7;
	s5 =	simm.s32 @!p0 $0x0;
	p0 =	por !p5, !p6  }
0x1a: {  	s7 =	sadd.s32 s26, s25;
	s4 =	ssub.s32 s4, s5;
	p0 =	por !p0, !p0  }
0x1b: {  	s7 =	sshrl.u32 s7, $0x7;
	s8 =	sshll.u32 s4, $0x7;
	s11 =	simm.s32 @!p0 $0x0  }
0x1c: {  	s10 =	simm.s32 $0xC3800;
	s4 =	sand.u32 $0x1FFFFF80, s8;
	s7 =	ssub.s32 s7, s11  }
0x1d: {  	s24 =	simm.s32 $0x80;
	v34 =	vlaneseq.u32;
	s23 =	sadd.s32 s3, s4;
	s7 =	sshll.u32 s7, $0x7  }
0x1e: {  	v0 =	vmul.u32 $0x80, v34;
	[tilespmem:s24], [sflag:$0x1] =	stream.strided.gather [hbm4b:s23+s9], $0x8000, s10, s9, $0x38;
	[tilespmem:$0x10280] =	vst v63  }
0x1f: {  	s8 =	ssub.s32 s6, s8;
	s28 =	sand.u32 $0x1FFFFF80, s7  }
0x20: {  	s29 =	simm.s32 $0x1;
	s30 =	simm.s32 $0x8080;
	v1 =	vadd.s32 s8, v0;
	s11 =	sadd.s32 s3, s28  }
0x21: {  	[tilespmem:s30], [sflag:$0x1] =	stream.strided.gather [hbm4b:s11+s9], $0x8000, s10, s9, $0x38;
	[tilespmem:$0x10280] =	vst v63  }
0x22: {  	_ =	swait.ge [sflag:s29], $0x8000  }
0x23: {  	[sflag:s29] =	ssyncset.done $0x0  }
0x24: {  	[sflag:s29] =	ssyncadd.s32 $0xFFFF8000  }
0x25: {  	v2 =	vor.u32 $0x800, v0;
	v1 =	vld.idx.msk [tilespmem:v1+s24+$0x0], $0xffff  }
0x26: {  	v3 =	vadd.s32 s8, v2;
	_ =	sdelay $0x3  }
0x27: {  	[tilespmem:$0x10080] =	vst v1  }
0x28: {  	v35 =	vor.u32 $0x1000, v0;
	v1 =	vld.idx.msk [tilespmem:v3+s24+$0x0], $0xffff  }
0x29: {  	v4 =	vadd.s32 s8, v35;
	_ =	sdelay $0x3  }
0x2a: {  	[tilespmem:$0x10090] =	vst v1  }
0x2b: {  	v36 =	vor.u32 $0x1800, v0;
	v1 =	vld.idx.msk [tilespmem:v4+s24+$0x0], $0xffff  }
0x2c: {  	v5 =	vadd.s32 s8, v36;
	_ =	sdelay $0x3  }
0x2d: {  	[tilespmem:$0x100A0] =	vst v1  }
0x2e: {  	v37 =	vor.u32 $0x2000, v0;
	v1 =	vld.idx.msk [tilespmem:v5+s24+$0x0], $0xffff  }
0x2f: {  	v6 =	vadd.s32 s8, v37;
	_ =	sdelay $0x3  }
0x30: {  	[tilespmem:$0x100B0] =	vst v1  }
0x31: {  	v38 =	vor.u32 $0x2800, v0;
	v1 =	vld.idx.msk [tilespmem:v6+s24+$0x0], $0xffff  }
0x32: {  	v7 =	vadd.s32 s8, v38;
	_ =	sdelay $0x3  }
0x33: {  	[tilespmem:$0x10100] =	vst v1  }
0x34: {  	v39 =	vor.u32 $0x3000, v0;
	v1 =	vld.idx.msk [tilespmem:v7+s24+$0x0], $0xffff  }
0x35: {  	v8 =	vadd.s32 s8, v39;
	_ =	sdelay $0x3  }
0x36: {  	[tilespmem:$0x10110] =	vst v1  }
0x37: {  	v40 =	vor.u32 $0x3800, v0;
	v1 =	vld.idx.msk [tilespmem:v8+s24+$0x0], $0xffff  }
0x38: {  	v9 =	vadd.s32 s8, v40;
	_ =	sdelay $0x3  }
0x39: {  	[tilespmem:$0x10120] =	vst v1  }
0x3a: {  	v41 =	vor.u32 $0x4000, v0;
	v1 =	vld.idx.msk [tilespmem:v9+s24+$0x0], $0xffff  }
0x3b: {  	v10 =	vadd.s32 s8, v41;
	_ =	sdelay $0x3  }
0x3c: {  	[tilespmem:$0x10130] =	vst v1  }
0x3d: {  	v42 =	vor.u32 $0x4800, v0;
	v1 =	vld.idx.msk [tilespmem:v10+s24+$0x0], $0xffff  }
0x3e: {  	v11 =	vadd.s32 s8, v42;
	_ =	sdelay $0x3  }
0x3f: {  	[tilespmem:$0x10180] =	vst v1  }
0x40: {  	v43 =	vor.u32 $0x5000, v0;
	v1 =	vld.idx.msk [tilespmem:v11+s24+$0x0], $0xffff  }
0x41: {  	v12 =	vadd.s32 s8, v43;
	_ =	sdelay $0x3  }
0x42: {  	[tilespmem:$0x10190] =	vst v1  }
0x43: {  	v44 =	vor.u32 $0x5800, v0;
	v1 =	vld.idx.msk [tilespmem:v12+s24+$0x0], $0xffff  }
0x44: {  	v13 =	vadd.s32 s8, v44;
	_ =	sdelay $0x3  }
0x45: {  	[tilespmem:$0x101A0] =	vst v1  }
0x46: {  	v45 =	vor.u32 $0x6000, v0;
	v1 =	vld.idx.msk [tilespmem:v13+s24+$0x0], $0xffff  }
0x47: {  	v14 =	vadd.s32 s8, v45;
	_ =	sdelay $0x3  }
0x48: {  	[tilespmem:$0x101B0] =	vst v1  }
0x49: {  	v46 =	vor.u32 $0x6800, v0;
	v1 =	vld.idx.msk [tilespmem:v14+s24+$0x0], $0xffff  }
0x4a: {  	v15 =	vadd.s32 s8, v46;
	_ =	sdelay $0x3  }
0x4b: {  	[tilespmem:$0x10200] =	vst v1  }
0x4c: {  	v47 =	vor.u32 $0x7000, v0;
	v1 =	vld.idx.msk [tilespmem:v15+s24+$0x0], $0xffff  }
0x4d: {  	v16 =	vadd.s32 s8, v47;
	_ =	sdelay $0x3  }
0x4e: {  	[tilespmem:$0x10210] =	vst v1  }
0x4f: {  	v48 =	vor.u32 $0x7800, v0;
	v1 =	vld.idx.msk [tilespmem:v16+s24+$0x0], $0xffff  }
0x50: {  	v17 =	vadd.s32 s8, v48;
	_ =	sdelay $0x3  }
0x51: {  	[tilespmem:$0x10220] =	vst v1  }
0x52: {  	v1 =	vld.idx.msk [tilespmem:v17+s24+$0x0], $0xffff;
	_ =	sdelay $0x2  }
0x53: {  	s31 =	ssub.s32 s25, s7  }
0x54: {  	v0 =	vadd.s32 s31, v0  }
0x55: {  	[tilespmem:$0x10230] =	vst v1  }
0x56: {  	_ =	swait.ge [sflag:s29], $0x8000  }
0x57: {  	[sflag:s29] =	ssyncset.done $0x0  }
0x58: {  	[sflag:s29] =	ssyncadd.s32 $0xFFFF8000  }
0x59: {  	v0 =	vld.idx.msk [tilespmem:v0+s30+$0x0], $0xffff  }
0x5a: {  	v49 =	vadd.s32 s31, v2;
	_ =	sdelay $0x3  }
0x5b: {  	[tilespmem:$0x100C0] =	vst v0  }
0x5c: {  	v0 =	vld.idx.msk [tilespmem:v49+s30+$0x0], $0xffff  }
0x5d: {  	v50 =	vadd.s32 s31, v35;
	_ =	sdelay $0x3  }
0x5e: {  	[tilespmem:$0x100D0] =	vst v0  }
0x5f: {  	v0 =	vld.idx.msk [tilespmem:v50+s30+$0x0], $0xffff  }
0x60: {  	v51 =	vadd.s32 s31, v36;
	_ =	sdelay $0x3  }
0x61: {  	[tilespmem:$0x100E0] =	vst v0  }
0x62: {  	v0 =	vld.idx.msk [tilespmem:v51+s30+$0x0], $0xffff  }
0x63: {  	v52 =	vadd.s32 s31, v37;
	_ =	sdelay $0x3  }
0x64: {  	[tilespmem:$0x100F0] =	vst v0  }
0x65: {  	v0 =	vld.idx.msk [tilespmem:v52+s30+$0x0], $0xffff  }
0x66: {  	v53 =	vadd.s32 s31, v38;
	_ =	sdelay $0x3  }
0x67: {  	[tilespmem:$0x10140] =	vst v0  }
0x68: {  	v0 =	vld.idx.msk [tilespmem:v53+s30+$0x0], $0xffff  }
0x69: {  	v54 =	vadd.s32 s31, v39;
	_ =	sdelay $0x3  }
0x6a: {  	[tilespmem:$0x10150] =	vst v0  }
0x6b: {  	v0 =	vld.idx.msk [tilespmem:v54+s30+$0x0], $0xffff  }
0x6c: {  	v55 =	vadd.s32 s31, v40;
	_ =	sdelay $0x3  }
0x6d: {  	[tilespmem:$0x10160] =	vst v0  }
0x6e: {  	v0 =	vld.idx.msk [tilespmem:v55+s30+$0x0], $0xffff  }
0x6f: {  	v56 =	vadd.s32 s31, v41;
	_ =	sdelay $0x3  }
0x70: {  	[tilespmem:$0x10170] =	vst v0  }
0x71: {  	v0 =	vld.idx.msk [tilespmem:v56+s30+$0x0], $0xffff  }
0x72: {  	v57 =	vadd.s32 s31, v42;
	_ =	sdelay $0x3  }
0x73: {  	[tilespmem:$0x101C0] =	vst v0  }
0x74: {  	v0 =	vld.idx.msk [tilespmem:v57+s30+$0x0], $0xffff  }
0x75: {  	v58 =	vadd.s32 s31, v43;
	_ =	sdelay $0x3  }
0x76: {  	[tilespmem:$0x101D0] =	vst v0  }
0x77: {  	v0 =	vld.idx.msk [tilespmem:v58+s30+$0x0], $0xffff  }
0x78: {  	v59 =	vadd.s32 s31, v44;
	_ =	sdelay $0x3  }
0x79: {  	[tilespmem:$0x101E0] =	vst v0  }
0x7a: {  	v0 =	vld.idx.msk [tilespmem:v59+s30+$0x0], $0xffff  }
0x7b: {  	v60 =	vadd.s32 s31, v45;
	_ =	sdelay $0x3  }
0x7c: {  	[tilespmem:$0x101F0] =	vst v0  }
0x7d: {  	v0 =	vld.idx.msk [tilespmem:v60+s30+$0x0], $0xffff  }
0x7e: {  	v61 =	vadd.s32 s31, v46;
	_ =	sdelay $0x3  }
0x7f: {  	[tilespmem:$0x10240] =	vst v0  }
0x80: {  	v0 =	vld.idx.msk [tilespmem:v61+s30+$0x0], $0xffff  }
0x81: {  	v62 =	vadd.s32 s31, v47;
	_ =	sdelay $0x3  }
0x82: {  	[tilespmem:$0x10250] =	vst v0  }
0x83: {  	v0 =	vld.idx.msk [tilespmem:v62+s30+$0x0], $0xffff  }
0x84: {  	v63 =	vadd.s32 s31, v48;
	_ =	sdelay $0x3  }
0x85: {  	[tilespmem:$0x10260] =	vst v0  }
0x86: {  	v0 =	vld.idx.msk [tilespmem:v63+s30+$0x0], $0xffff  }
.Ltmp2:
0x87: {  	_ = 	snop;
	(pc) =	sbr.rel .LBB2_4-.Ltmp2, $2  }
0x88: {  	_ =	sdelay $0x2  }
0x89: {  	s2 =	sadd.s32 $0x10, s2;
	[tilespmem:$0x10270] =	vst v0  }
.LBB2_2:
0x8a: {  	_ =	sdelay $0x3  }
0x8b: {  	(v2sf) =	vpush v0, $0x0;
	_ =	sdelay $0xe  }
0x8c: {  	s6 =	spop (v2sf)  }
0x8d: {  	s9 =	simm.s32 $0x400;
	s4 =	sand.u32 $0x7F, s6  }
0x8e: {  	s5 =	sshra.s32 s6, $0x1F;
	p0 =	slt.s32 s6, $0x1;
	s25 =	sadd.s32 $0xC350, s6  }
0x8f: {  	p1 =	sne.s32 s4, $0x0;
	s22 =	sshrl.u32 s5, $0x19;
	s5 =	simm.s32 $0x1  }
0x90: {  	s7 =	sand.u32 $0x7F, s25;
	s11 =	sshra.s32 s25, $0x1F;
	p5 =	slt.s32 s25, $0x1  }
0x91: {  	p0 =	por !p0, !p1;
	s4 =	sadd.s32 s22, s6;
	p6 =	sne.s32 s7, $0x0  }
0x92: {  	s26 =	sshrl.u32 s11, $0x19;
	s11 =	simm.s32 $0x1;
	p0 =	por !p0, !p0  }
0x93: {  	s4 =	sshrl.u32 s4, $0x7;
	s5 =	simm.s32 @!p0 $0x0;
	p0 =	por !p5, !p6  }
0x94: {  	s7 =	sadd.s32 s26, s25;
	s4 =	ssub.s32 s4, s5;
	p0 =	por !p0, !p0  }
0x95: {  	s7 =	sshrl.u32 s7, $0x7;
	s8 =	sshll.u32 s4, $0x7;
	s11 =	simm.s32 @!p0 $0x0  }
0x96: {  	s10 =	simm.s32 $0xC3800;
	s4 =	sand.u32 $0x1FFFFF80, s8;
	s7 =	ssub.s32 s7, s11  }
0x97: {  	s24 =	simm.s32 $0x80;
	v34 =	vlaneseq.u32;
	s23 =	sadd.s32 s3, s4;
	s7 =	sshll.u32 s7, $0x7  }
0x98: {  	v0 =	vmul.u32 $0x80, v34;
	[tilespmem:s24], [sflag:$0x1] =	stream.strided.gather [hbm4b:s23+s9], $0x8000, s10, s9, $0x38;
	[tilespmem:$0x10280] =	vst v63  }
0x99: {  	s8 =	ssub.s32 s6, s8;
	s28 =	sand.u32 $0x1FFFFF80, s7  }
0x9a: {  	s29 =	simm.s32 $0x1;
	s30 =	simm.s32 $0x8080;
	v1 =	vadd.s32 s8, v0;
	s11 =	sadd.s32 s3, s28  }
0x9b: {  	[tilespmem:s30], [sflag:$0x1] =	stream.strided.gather [hbm4b:s11+s9], $0x8000, s10, s9, $0x38;
	[tilespmem:$0x10280] =	vst v63  }
0x9c: {  	_ =	swait.ge [sflag:s29], $0x8000  }
0x9d: {  	[sflag:s29] =	ssyncset.done $0x0  }
0x9e: {  	[sflag:s29] =	ssyncadd.s32 $0xFFFF8000  }
0x9f: {  	v2 =	vor.u32 $0x800, v0;
	v1 =	vld.idx.msk [tilespmem:v1+s24+$0x0], $0xffff  }
0xa0: {  	v3 =	vadd.s32 s8, v2;
	_ =	sdelay $0x3  }
0xa1: {  	[tilespmem:$0x10080] =	vst v1  }
0xa2: {  	v35 =	vor.u32 $0x1000, v0;
	v1 =	vld.idx.msk [tilespmem:v3+s24+$0x0], $0xffff  }
0xa3: {  	v4 =	vadd.s32 s8, v35;
	_ =	sdelay $0x3  }
0xa4: {  	[tilespmem:$0x10090] =	vst v1  }
0xa5: {  	v36 =	vor.u32 $0x1800, v0;
	v1 =	vld.idx.msk [tilespmem:v4+s24+$0x0], $0xffff  }
0xa6: {  	v5 =	vadd.s32 s8, v36;
	_ =	sdelay $0x3  }
0xa7: {  	[tilespmem:$0x100A0] =	vst v1  }
0xa8: {  	v37 =	vor.u32 $0x2000, v0;
	v1 =	vld.idx.msk [tilespmem:v5+s24+$0x0], $0xffff  }
0xa9: {  	v6 =	vadd.s32 s8, v37;
	_ =	sdelay $0x3  }
0xaa: {  	[tilespmem:$0x100B0] =	vst v1  }
0xab: {  	v38 =	vor.u32 $0x2800, v0;
	v1 =	vld.idx.msk [tilespmem:v6+s24+$0x0], $0xffff  }
0xac: {  	v7 =	vadd.s32 s8, v38;
	_ =	sdelay $0x3  }
0xad: {  	[tilespmem:$0x10100] =	vst v1  }
0xae: {  	v39 =	vor.u32 $0x3000, v0;
	v1 =	vld.idx.msk [tilespmem:v7+s24+$0x0], $0xffff  }
0xaf: {  	v8 =	vadd.s32 s8, v39;
	_ =	sdelay $0x3  }
0xb0: {  	[tilespmem:$0x10110] =	vst v1  }
0xb1: {  	v40 =	vor.u32 $0x3800, v0;
	v1 =	vld.idx.msk [tilespmem:v8+s24+$0x0], $0xffff  }
0xb2: {  	v9 =	vadd.s32 s8, v40;
	_ =	sdelay $0x3  }
0xb3: {  	[tilespmem:$0x10120] =	vst v1  }
0xb4: {  	v41 =	vor.u32 $0x4000, v0;
	v1 =	vld.idx.msk [tilespmem:v9+s24+$0x0], $0xffff  }
0xb5: {  	v10 =	vadd.s32 s8, v41;
	_ =	sdelay $0x3  }
0xb6: {  	[tilespmem:$0x10130] =	vst v1  }
0xb7: {  	v42 =	vor.u32 $0x4800, v0;
	v1 =	vld.idx.msk [tilespmem:v10+s24+$0x0], $0xffff  }
0xb8: {  	v11 =	vadd.s32 s8, v42;
	_ =	sdelay $0x3  }
0xb9: {  	[tilespmem:$0x10180] =	vst v1  }
0xba: {  	v43 =	vor.u32 $0x5000, v0;
	v1 =	vld.idx.msk [tilespmem:v11+s24+$0x0], $0xffff  }
0xbb: {  	v12 =	vadd.s32 s8, v43;
	_ =	sdelay $0x3  }
0xbc: {  	[tilespmem:$0x10190] =	vst v1  }
0xbd: {  	v44 =	vor.u32 $0x5800, v0;
	v1 =	vld.idx.msk [tilespmem:v12+s24+$0x0], $0xffff  }
0xbe: {  	v13 =	vadd.s32 s8, v44;
	_ =	sdelay $0x3  }
0xbf: {  	[tilespmem:$0x101A0] =	vst v1  }
0xc0: {  	v45 =	vor.u32 $0x6000, v0;
	v1 =	vld.idx.msk [tilespmem:v13+s24+$0x0], $0xffff  }
0xc1: {  	v14 =	vadd.s32 s8, v45;
	_ =	sdelay $0x3  }
0xc2: {  	[tilespmem:$0x101B0] =	vst v1  }
0xc3: {  	v46 =	vor.u32 $0x6800, v0;
	v1 =	vld.idx.msk [tilespmem:v14+s24+$0x0], $0xffff  }
0xc4: {  	v15 =	vadd.s32 s8, v46;
	_ =	sdelay $0x3  }
0xc5: {  	[tilespmem:$0x10200] =	vst v1  }
0xc6: {  	v47 =	vor.u32 $0x7000, v0;
	v1 =	vld.idx.msk [tilespmem:v15+s24+$0x0], $0xffff  }
0xc7: {  	v16 =	vadd.s32 s8, v47;
	_ =	sdelay $0x3  }
0xc8: {  	[tilespmem:$0x10210] =	vst v1  }
0xc9: {  	v48 =	vor.u32 $0x7800, v0;
	v1 =	vld.idx.msk [tilespmem:v16+s24+$0x0], $0xffff  }
0xca: {  	v17 =	vadd.s32 s8, v48;
	_ =	sdelay $0x3  }
0xcb: {  	[tilespmem:$0x10220] =	vst v1  }
0xcc: {  	v1 =	vld.idx.msk [tilespmem:v17+s24+$0x0], $0xffff;
	_ =	sdelay $0x2  }
0xcd: {  	s31 =	ssub.s32 s25, s7  }
0xce: {  	v0 =	vadd.s32 s31, v0  }
0xcf: {  	[tilespmem:$0x10230] =	vst v1  }
0xd0: {  	_ =	swait.ge [sflag:s29], $0x8000  }
0xd1: {  	[sflag:s29] =	ssyncset.done $0x0  }
0xd2: {  	[sflag:s29] =	ssyncadd.s32 $0xFFFF8000  }
0xd3: {  	v0 =	vld.idx.msk [tilespmem:v0+s30+$0x0], $0xffff  }
0xd4: {  	v49 =	vadd.s32 s31, v2;
	_ =	sdelay $0x3  }
0xd5: {  	[tilespmem:$0x100C0] =	vst v0  }
0xd6: {  	v0 =	vld.idx.msk [tilespmem:v49+s30+$0x0], $0xffff  }
0xd7: {  	v50 =	vadd.s32 s31, v35;
	_ =	sdelay $0x3  }
0xd8: {  	[tilespmem:$0x100D0] =	vst v0  }
0xd9: {  	v0 =	vld.idx.msk [tilespmem:v50+s30+$0x0], $0xffff  }
0xda: {  	v51 =	vadd.s32 s31, v36;
	_ =	sdelay $0x3  }
0xdb: {  	[tilespmem:$0x100E0] =	vst v0  }
0xdc: {  	v0 =	vld.idx.msk [tilespmem:v51+s30+$0x0], $0xffff  }
0xdd: {  	v52 =	vadd.s32 s31, v37;
	_ =	sdelay $0x3  }
0xde: {  	[tilespmem:$0x100F0] =	vst v0  }
0xdf: {  	v0 =	vld.idx.msk [tilespmem:v52+s30+$0x0], $0xffff  }
0xe0: {  	v53 =	vadd.s32 s31, v38;
	_ =	sdelay $0x3  }
0xe1: {  	[tilespmem:$0x10140] =	vst v0  }
0xe2: {  	v0 =	vld.idx.msk [tilespmem:v53+s30+$0x0], $0xffff  }
0xe3: {  	v54 =	vadd.s32 s31, v39;
	_ =	sdelay $0x3  }
0xe4: {  	[tilespmem:$0x10150] =	vst v0  }
0xe5: {  	v0 =	vld.idx.msk [tilespmem:v54+s30+$0x0], $0xffff  }
0xe6: {  	v55 =	vadd.s32 s31, v40;
	_ =	sdelay $0x3  }
0xe7: {  	[tilespmem:$0x10160] =	vst v0  }
0xe8: {  	v0 =	vld.idx.msk [tilespmem:v55+s30+$0x0], $0xffff  }
0xe9: {  	v56 =	vadd.s32 s31, v41;
	_ =	sdelay $0x3  }
0xea: {  	[tilespmem:$0x10170] =	vst v0  }
0xeb: {  	v0 =	vld.idx.msk [tilespmem:v56+s30+$0x0], $0xffff  }
0xec: {  	v57 =	vadd.s32 s31, v42;
	_ =	sdelay $0x3  }
0xed: {  	[tilespmem:$0x101C0] =	vst v0  }
0xee: {  	v0 =	vld.idx.msk [tilespmem:v57+s30+$0x0], $0xffff  }
0xef: {  	v58 =	vadd.s32 s31, v43;
	_ =	sdelay $0x3  }
0xf0: {  	[tilespmem:$0x101D0] =	vst v0  }
0xf1: {  	v0 =	vld.idx.msk [tilespmem:v58+s30+$0x0], $0xffff  }
0xf2: {  	v59 =	vadd.s32 s31, v44;
	_ =	sdelay $0x3  }
0xf3: {  	[tilespmem:$0x101E0] =	vst v0  }
0xf4: {  	v0 =	vld.idx.msk [tilespmem:v59+s30+$0x0], $0xffff  }
0xf5: {  	v60 =	vadd.s32 s31, v45;
	_ =	sdelay $0x3  }
0xf6: {  	[tilespmem:$0x101F0] =	vst v0  }
0xf7: {  	v0 =	vld.idx.msk [tilespmem:v60+s30+$0x0], $0xffff  }
0xf8: {  	v61 =	vadd.s32 s31, v46;
	_ =	sdelay $0x3  }
0xf9: {  	[tilespmem:$0x10240] =	vst v0  }
0xfa: {  	v0 =	vld.idx.msk [tilespmem:v61+s30+$0x0], $0xffff  }
0xfb: {  	v62 =	vadd.s32 s31, v47;
	_ =	sdelay $0x3  }
0xfc: {  	[tilespmem:$0x10250] =	vst v0  }
0xfd: {  	v0 =	vld.idx.msk [tilespmem:v62+s30+$0x0], $0xffff  }
0xfe: {  	v63 =	vadd.s32 s31, v48;
	_ =	sdelay $0x3  }
0xff: {  	[tilespmem:$0x10260] =	vst v0  }
0x100: {  	v0 =	vld.idx.msk [tilespmem:v63+s30+$0x0], $0xffff;
	_ =	sdelay $0x4  }
0x101: {  	[tilespmem:$0x10270] =	vst v0  }
.LBB2_4:
0x102: {  	s3 =	simm.s32 $0x80  }
0x103: {  	s4 =	simm.s32 $0x100;
	s5 =	simm.s32 $0x10080;
	s31 =	simm.s32 $0x2  }
0x104: {  	[hbm4b:s2+s3] =	stream.strided.scatter [tilespmem:s5], [sflag:$0x2], $0x200, s4, s3, $0x38;
	[tilespmem:$0x10280] =	vst v63  }
0x105: {  	_ =	swait.ge [sflag:s31], $0x200  }
0x106: {  	[sflag:s31] =	ssyncset.done $0x0  }
0x107: {  	[sflag:s31] =	ssyncadd.s32 $0xFFFFFE00  }
.LBB2_5:
0x108: {  	_ =	sfence.sel $0x180000  }
0x109: {  	[bflag:$0x0] =	sbarrier.arrive $0xFFFF  }
0x10a: {  	p0 =	sne.s32 s1, $0x0;
	_ =	strace $0x90000047  }
0x10b: {  	s0 =	sadd.s32 @!p0 $0x100000, s0;
	[bflag:$0x2] =	sbarrier.arrive $0xFFFF  }
0x10c: {  	[sflag:s0] =	ssyncadd.tile.s32 @!p0 $0x1;
	_ =	shalt  }
.Lfunc_end2:
_tile_overlayer_lowered:
.L_overlay_start_2:
0x10d: {  	(tag) =	ssettag $0x2  }
0x10e: {  	s0 =	rddreg [dreg:$0x0];
	s2 =	stileid.u32  }
0x10f: {  	s1 =	rddreg [dreg:$0x1];
	p0 =	sne.s32 s2, $0x0  }
0x110: {  	s3 =	rddreg [dreg:$0x2];
	[bflag:$0x3] =	sbarrier.arrive $0xFFFF;
	s2 =	simm.s32 @!p0 $0x1C02  }
0x111: {  	[timem:s3], [sflag:s2] =	dma.local @!p0 [hbm:s0], s1  }
0x112: {  	s0 =	simm.s32 @!p0 $0x2  }
0x113: {  	_ =	swait.ge @!p0 [sflag:s0], s1  }
0x114: {  	s1 =	ssub.s32 @!p0 $0x0, s1;
	[sflag:s0] =	ssyncset.done @!p0 $0x0  }
0x115: {  	[sflag:s0] =	ssyncadd.s32 @!p0 s1  }
0x116: {  	[bflag:$0x3] =	sbarrier.arrive $0xFFFF  }
0x117: {  	_ =	shalt  }

</sc_bundles>
